<compile_context>
chip_gen: v7x
topology: tpu7x:2x2x1
jax: 0.10.2.dev20260603
libtpu: 0.0.44.dev20260713+nightly
codegen_flags: <defaults>
</compile_context>

<pallas_src>
import functools

import jax
import jax.numpy as jnp
from jax import lax
from jax.experimental import pallas as pl
from jax.experimental.pallas import tpu as pltpu
from jax.experimental.pallas import tpu_sc as plsc

N = 10000
E = 320000
D = 128
DO = 64
DE = 16
NC = 2
NS = 16
NW = NC * NS
EPW = E // NW
CH = 80
NIT = EPW // CH
NP = 10240
NPS = NP // NS
RB = 1000
EB = 2048

_mesh = plsc.VectorSubcoreMesh(core_axis_name="c", subcore_axis_name="s")


def _sc_degree(dst, ones, zeros16):

    @functools.partial(
        pl.kernel, mesh=_mesh,
        out_type=jax.ShapeDtypeStruct((NC * NP, 16), jnp.float32),
        scratch_types=[pltpu.VMEM((CH,), jnp.int32),
                       pltpu.VMEM((CH, 16), jnp.float32),
                       pltpu.VMEM_SHARED((NP, 16), jnp.float32)],
        compiler_params=pltpu.CompilerParams(use_tc_tiling_on_sc=False),
    )
    def k(dst_hbm, ones_hbm, zeros_hbm, out_hbm, idx_v, ones_v, acc):
        cid = lax.axis_index("c")
        sid = lax.axis_index("s")
        base = (cid * NS + sid) * EPW
        pltpu.sync_copy(zeros_hbm.at[pl.ds(sid * NPS, NPS), :],
                        acc.at[pl.ds(sid * NPS, NPS), :])
        pltpu.sync_copy(ones_hbm, ones_v)
        plsc.subcore_barrier()

        @pl.loop(0, NIT)
        def _(i):
            pltpu.sync_copy(dst_hbm.at[pl.ds(base + i * CH, CH)], idx_v)
            pltpu.sync_copy(ones_v, acc.at[idx_v], add=True)

        plsc.subcore_barrier()
        pltpu.sync_copy(acc.at[pl.ds(sid * NPS, NPS), :],
                        out_hbm.at[pl.ds(cid * NP + sid * NPS, NPS), :])

    return k(dst, ones, zeros16)


def _sc_scatter(y, src, dst, zeros):

    @functools.partial(
        pl.kernel, mesh=_mesh,
        out_type=jax.ShapeDtypeStruct((NC * NP, D), jnp.float32),
        scratch_types=[pltpu.VMEM((CH,), jnp.int32),
                       pltpu.VMEM((CH,), jnp.int32),
                       pltpu.VMEM((CH, D), jnp.float32),
                       pltpu.VMEM_SHARED((NP, D), jnp.float32)],
    )
    def k(y_hbm, src_hbm, dst_hbm, zeros_hbm, out_hbm, si_v, di_v, rows_v, acc):
        cid = lax.axis_index("c")
        sid = lax.axis_index("s")
        base = (cid * NS + sid) * EPW
        pltpu.sync_copy(zeros_hbm.at[pl.ds(sid * NPS, NPS), :],
                        acc.at[pl.ds(sid * NPS, NPS), :])
        plsc.subcore_barrier()

        @pl.loop(0, NIT)
        def _(i):
            pltpu.sync_copy(src_hbm.at[pl.ds(base + i * CH, CH)], si_v)
            pltpu.sync_copy(dst_hbm.at[pl.ds(base + i * CH, CH)], di_v)
            pltpu.sync_copy(y_hbm.at[si_v], rows_v)
            pltpu.sync_copy(rows_v, acc.at[di_v], add=True)

        plsc.subcore_barrier()
        pltpu.sync_copy(acc.at[pl.ds(sid * NPS, NPS), :],
                        out_hbm.at[pl.ds(cid * NP + sid * NPS, NPS), :])

    return k(y, src, dst, zeros)


def _sc_edge_combine(T1, T2, src, dst):

    @functools.partial(
        pl.kernel, mesh=_mesh,
        out_type=jax.ShapeDtypeStruct((E, D), jnp.float32),
        scratch_types=[pltpu.VMEM((CH,), jnp.int32),
                       pltpu.VMEM((CH,), jnp.int32),
                       pltpu.VMEM((CH,), jnp.int32),
                       pltpu.VMEM((CH, D), jnp.float32),
                       pltpu.VMEM((CH, D), jnp.float32),
                       pltpu.VMEM_SHARED((NS * CH, D), jnp.float32)],
    )
    def k(t1_hbm, t2_hbm, src_hbm, dst_hbm, s_hbm, si_v, di_v, id_v, a_v, b_v, sp):
        cid = lax.axis_index("c")
        sid = lax.axis_index("s")
        base = (cid * NS + sid) * EPW
        for j in range(CH // 16):
            id_v[pl.ds(16 * j, 16)] = lax.iota(jnp.int32, 16) + (sid * CH + 16 * j)

        @pl.loop(0, NIT)
        def _(i):
            off = base + i * CH
            pltpu.sync_copy(src_hbm.at[pl.ds(off, CH)], si_v)
            pltpu.sync_copy(dst_hbm.at[pl.ds(off, CH)], di_v)
            pltpu.sync_copy(t1_hbm.at[si_v], a_v)
            pltpu.sync_copy(t2_hbm.at[di_v], b_v)
            pltpu.sync_copy(a_v, sp.at[pl.ds(sid * CH, CH), :])
            pltpu.sync_copy(b_v, sp.at[id_v], add=True)
            pltpu.sync_copy(sp.at[pl.ds(sid * CH, CH), :], s_hbm.at[pl.ds(off, CH), :])

    return k(T1, T2, src, dst)


def _tc_layer0(degp, x, W1):

    def body(dp_ref, x_ref, w_ref, y_ref, dinv_ref):
        dp = dp_ref[...]
        deg = dp[0, :, 0:1] + dp[1, :, 0:1] + 1.0
        dinv = lax.rsqrt(deg)
        dinv_ref[...] = dinv
        y_ref[...] = jnp.dot(x_ref[...], w_ref[...],
                             preferred_element_type=jnp.float32) * dinv

    return pl.pallas_call(
        body,
        grid=(N // RB,),
        in_specs=[pl.BlockSpec((NC, RB, 16), lambda i: (0, i, 0)),
                  pl.BlockSpec((RB, D), lambda i: (i, 0)),
                  pl.BlockSpec((D, D), lambda i: (0, 0))],
        out_specs=[pl.BlockSpec((RB, D), lambda i: (i, 0)),
                   pl.BlockSpec((RB, 1), lambda i: (i, 0))],
        out_shape=[jax.ShapeDtypeStruct((N, D), jnp.float32),
                   jax.ShapeDtypeStruct((N, 1), jnp.float32)],
    )(degp, x, W1)


def _tc_mid(part, y, dinv, W, b):

    def body(p_ref, y_ref, dinv_ref, w_ref, b_ref, o_ref):
        p = p_ref[...]
        dinv = dinv_ref[...]
        h = jnp.maximum(dinv * (p[0] + p[1] + y_ref[...]) + b_ref[...], 0.0)
        o_ref[...] = jnp.dot(h, w_ref[...],
                             preferred_element_type=jnp.float32) * dinv

    return pl.pallas_call(
        body,
        grid=(N // RB,),
        in_specs=[pl.BlockSpec((NC, RB, D), lambda i: (0, i, 0)),
                  pl.BlockSpec((RB, D), lambda i: (i, 0)),
                  pl.BlockSpec((RB, 1), lambda i: (i, 0)),
                  pl.BlockSpec((D, D), lambda i: (0, 0)),
                  pl.BlockSpec((1, D), lambda i: (0, 0))],
        out_specs=pl.BlockSpec((RB, D), lambda i: (i, 0)),
        out_shape=jax.ShapeDtypeStruct((N, D), jnp.float32),
    )(part, y, dinv, W, b)


def _tc_last_nodes(part, y, dinv, W12, W21, b):

    def body(p_ref, y_ref, dinv_ref, wa_ref, wb_ref, b_ref, T1_ref, T2_ref):
        p = p_ref[...]
        dinv = dinv_ref[...]
        h = jnp.maximum(dinv * (p[0] + p[1] + y_ref[...]) + b_ref[...], 0.0)
        T1_ref[...] = jnp.dot(h, wa_ref[...], preferred_element_type=jnp.float32)
        T2_ref[...] = jnp.dot(h, wb_ref[...], preferred_element_type=jnp.float32)

    return pl.pallas_call(
        body,
        grid=(N // RB,),
        in_specs=[pl.BlockSpec((NC, RB, D), lambda i: (0, i, 0)),
                  pl.BlockSpec((RB, D), lambda i: (i, 0)),
                  pl.BlockSpec((RB, 1), lambda i: (i, 0)),
                  pl.BlockSpec((D, D), lambda i: (0, 0)),
                  pl.BlockSpec((D, D), lambda i: (0, 0)),
                  pl.BlockSpec((1, D), lambda i: (0, 0))],
        out_specs=[pl.BlockSpec((RB, D), lambda i: (i, 0)),
                   pl.BlockSpec((RB, D), lambda i: (i, 0))],
        out_shape=[jax.ShapeDtypeStruct((N, D), jnp.float32),
                   jax.ShapeDtypeStruct((N, D), jnp.float32)],
    )(part, y, dinv, W12, W21, b)


def _tc_edges(S, eaT, W3cT, b3c):

    def body(s_ref, ea_ref, w_ref, b_ref, o_ref):
        st = jnp.transpose(s_ref[:, :DO])
        o_ref[...] = (st
                      + jnp.dot(w_ref[...], ea_ref[...],
                                preferred_element_type=jnp.float32)
                      + b_ref[...])

    return pl.pallas_call(
        body,
        grid=(pl.cdiv(E, EB),),
        in_specs=[pl.BlockSpec((EB, D), lambda i: (i, 0)),
                  pl.BlockSpec((DE, EB), lambda i: (0, i)),
                  pl.BlockSpec((DO, DE), lambda i: (0, 0)),
                  pl.BlockSpec((DO, 1), lambda i: (0, 0))],
        out_specs=pl.BlockSpec((DO, EB), lambda i: (0, i)),
        out_shape=jax.ShapeDtypeStruct((DO, E), jnp.float32),
    )(S, eaT, W3cT, b3c)


def kernel(x, edge_index, edge_attr, W1, b1, W2, b2, W3, b3):
    src = edge_index[0]
    dst = edge_index[1]
    zeros_d = jnp.zeros((NP, D), jnp.float32)
    zeros16 = jnp.zeros((NP, 16), jnp.float32)
    ones_ch = jnp.ones((CH, 16), jnp.float32)

    degp = _sc_degree(dst, ones_ch, zeros16).reshape(NC, NP, 16)
    y1, dinv = _tc_layer0(degp, x, W1)
    part1 = _sc_scatter(y1, src, dst, zeros_d).reshape(NC, NP, D)
    y2 = _tc_mid(part1, y1, dinv, W2, b1.reshape(1, D))
    part2 = _sc_scatter(y2, src, dst, zeros_d).reshape(NC, NP, D)
    W3a, W3b = W3[:D], W3[D:2 * D]
    W12 = jnp.concatenate([W3a, W3b], axis=1)
    W21 = jnp.concatenate([W3b, W3a], axis=1)
    T1, T2 = _tc_last_nodes(part2, y2, dinv, W12, W21, b2.reshape(1, D))
    S = _sc_edge_combine(T1, T2, src, dst)
    outT = _tc_edges(S, edge_attr.T, W3[2 * D:].T, b3.reshape(DO, 1))
    return outT.T

# --- scband reference (transcript-rebuilt; emitter-appended) ---
"""Pipeline reference for scband-traffic-gnn-27917287424795 (READ-ONLY COPY).

The authoritative reference and input builder live on the scoring server;
editing this copy changes nothing except your own understanding.
"""

import jax, jax.numpy as jnp
import numpy as np

N = 10000
E = 320000
D_IN = 128
D_EDGE = 16
H = 128
D_OUT = 64


def gcn_conv(x, edge_index, W, b):
    # PyG GCNConv: linear transform, add self loops, symmetric normalization, scatter-add
    n = x.shape[0]
    src = edge_index[0]
    dst = edge_index[1]
    loop = jnp.arange(n, dtype=src.dtype)
    src = jnp.concatenate([src, loop])
    dst = jnp.concatenate([dst, loop])
    xw = x @ W
    deg = jax.ops.segment_sum(jnp.ones_like(dst, dtype=xw.dtype), dst, num_segments=n)
    deg_inv_sqrt = jnp.where(deg > 0, 1.0 / jnp.sqrt(deg), 0.0)
    norm = deg_inv_sqrt[src] * deg_inv_sqrt[dst]
    msgs = xw[src] * norm[:, None]
    out = jax.ops.segment_sum(msgs, dst, num_segments=n)
    return out + b


def setup_inputs(seed: int = 0):
    key = jax.random.key(seed)
    ks = jax.random.split(key, 10)
    x = jax.random.normal(ks[0], (N, D_IN), dtype=jnp.float32)
    edge_index = jax.random.randint(ks[1], (2, E), 0, N, dtype=jnp.int32)
    edge_attr = jax.random.normal(ks[2], (E, D_EDGE), dtype=jnp.float32)
    W1 = jax.random.normal(ks[3], (D_IN, H), dtype=jnp.float32) / np.sqrt(D_IN)
    b1 = jnp.zeros((H,), dtype=jnp.float32)
    W2 = jax.random.normal(ks[4], (H, H), dtype=jnp.float32) / np.sqrt(H)
    b2 = jnp.zeros((H,), dtype=jnp.float32)
    W3 = jax.random.normal(ks[5], (2 * H + D_EDGE, D_OUT), dtype=jnp.float32) / np.sqrt(2 * H + D_EDGE)
    b3 = jnp.zeros((D_OUT,), dtype=jnp.float32)
    return {"x": x, "edge_index": edge_index, "edge_attr": edge_attr,
            "W1": W1, "b1": b1, "W2": W2, "b2": b2, "W3": W3, "b3": b3}


def reference(x, edge_index, edge_attr, W1, b1, W2, b2, W3, b3):
    h = gcn_conv(x, edge_index, W1, b1)
    h = jax.nn.relu(h)
    h = gcn_conv(h, edge_index, W2, b2)
    h = jax.nn.relu(h)
    src = edge_index[0]
    dst = edge_index[1]
    edge_features = jnp.concatenate([h[src], h[dst], edge_attr], axis=1)
    return edge_features @ W3 + b3

if __name__ == "__main__":
    import jax
    _d = setup_inputs()
    print(jax.jit(kernel)(*tuple(_d.values())))

</pallas_src>

<mosaic_0001>
#map = affine_map<(d0, d1) -> (0, 0)>
#map1 = affine_map<(d0, d1) -> (0)>
module attributes {stable_mosaic.version = 14 : i64} {
  func.func @k(%arg0: i32, %arg1: i32, %arg2: memref<10000x128xf32, #tpu.memory_space<hbm>>, %arg3: memref<320000xi32, #tpu.memory_space<hbm>>, %arg4: memref<320000xi32, #tpu.memory_space<hbm>>, %arg5: memref<10240x128xf32, #tpu.memory_space<hbm>>, %arg6: memref<20480x128xf32, #tpu.memory_space<hbm>>, %arg7: memref<80xi32, #tpu.memory_space<vmem>>, %arg8: memref<80xi32, #tpu.memory_space<vmem>>, %arg9: memref<80x128xf32, #tpu.memory_space<vmem>>, %arg10: memref<10240x128xf32, #tpu.memory_space<vmem_shared>>) attributes {dimension_semantics = [#tpu.dimension_semantics<core_parallel>, #tpu.dimension_semantics<subcore_parallel>], iteration_bounds = array<i64: 2, 16>, scalar_prefetch = 0 : i64, scratch_operands = 4 : i64, tpu.core_type = #tpu.core_type<sc_vector_subcore>, window_params = [{transform_indices = #map}, {transform_indices = #map1}, {transform_indices = #map1}, {transform_indices = #map}, {transform_indices = #map}]} {
    %mul3A = arith.constant 16 : i32
    %mul3A_0 = arith.muli %arg0, %mul3A : i32
    %add3A = arith.addi %mul3A_0, %arg1 : i32
    %mul3A_1 = arith.constant 10000 : i32
    %mul3A_2 = arith.muli %add3A, %mul3A_1 : i32
    %mul3A_3 = arith.constant 640 : i32
    %mul3A_4 = arith.muli %arg1, %mul3A_3 : i32
    %mul3A_5 = arith.constant 640 : i32
    %mul3A_6 = arith.muli %arg1, %mul3A_5 : i32
    "tpu.region"() ({
      %run_scoped3A = tpu.sem_alloc : memref<!tpu.dma_semaphore, #tpu.memory_space<semaphore_mem>>
      %dma_start3A = arith.constant 0 : i32
      %dma_start3A_19 = tpu.memref_slice %arg10[%mul3A_6, %dma_start3A] : memref<10240x128xf32, #tpu.memory_space<vmem_shared>> -> memref<640x128xf32, #tpu.memory_space<vmem_shared>>
      %dma_start3A_20 = arith.constant 0 : i32
      %dma_start3A_21 = tpu.memref_slice %arg5[%mul3A_4, %dma_start3A_20] : memref<10240x128xf32, #tpu.memory_space<hbm>> -> memref<640x128xf32, #tpu.memory_space<hbm>>
      tpu.enqueue_dma source(%dma_start3A_21 : memref<640x128xf32, #tpu.memory_space<hbm>>) target(%dma_start3A_19 : memref<640x128xf32, #tpu.memory_space<vmem_shared>>) target_semaphore(%run_scoped3A : memref<!tpu.dma_semaphore, #tpu.memory_space<semaphore_mem>>)
      %dma_wait3A = arith.constant 0 : i32
      %dma_wait3A_22 = tpu.memref_slice %arg10[%mul3A_6, %dma_wait3A] : memref<10240x128xf32, #tpu.memory_space<vmem_shared>> -> memref<640x128xf32, #tpu.memory_space<vmem_shared>>
      %dma_wait3A_23 = arith.constant 0 : i32
      %dma_wait3A_24 = tpu.memref_slice %arg5[%mul3A_4, %dma_wait3A_23] : memref<10240x128xf32, #tpu.memory_space<hbm>> -> memref<640x128xf32, #tpu.memory_space<hbm>>
      tpu.wait_dma2 semaphore(%run_scoped3A : memref<!tpu.dma_semaphore, #tpu.memory_space<semaphore_mem>>) src(%dma_wait3A_24 : memref<640x128xf32, #tpu.memory_space<hbm>>) dst(%dma_wait3A_22 : memref<640x128xf32, #tpu.memory_space<vmem_shared>>)
      tpu.yield
    }) : () -> ()
    %barrier3A = arith.constant 0 : index
    tpu.barrier barrier_id(%barrier3A)
    %scan3A = arith.constant 0 : i32
    %scan3A_7 = arith.constant 125 : i32
    %scan3A_8 = arith.addi %scan3A, %scan3A_7 : i32
    %scan3A_9 = arith.constant 1 : i32
    scf.for %scan3A_19 = %scan3A to %scan3A_8 step %scan3A_9  : i32 {
      %mul3A_20 = arith.constant 1 : i32
      %mul3A_21 = arith.muli %scan3A_19, %mul3A_20 : i32
      %add3A_22 = arith.constant 0 : i32
      %add3A_23 = arith.addi %add3A_22, %mul3A_21 : i32
      %mul3A_24 = arith.constant 80 : i32
      %mul3A_25 = arith.muli %add3A_23, %mul3A_24 : i32
      %add3A_26 = arith.addi %mul3A_2, %mul3A_25 : i32
      "tpu.region"() ({
        %run_scoped3A = tpu.sem_alloc : memref<!tpu.dma_semaphore, #tpu.memory_space<semaphore_mem>>
        %dma_start3A = tpu.memref_slice %arg3[%add3A_26] : memref<320000xi32, #tpu.memory_space<hbm>> -> memref<80xi32, #tpu.memory_space<hbm>>
        %dma_start3A_30 = tpu.memref_slice %arg3[%add3A_26] : memref<320000xi32, #tpu.memory_space<hbm>> -> memref<80xi32, #tpu.memory_space<hbm>>
        tpu.enqueue_dma source(%dma_start3A_30 : memref<80xi32, #tpu.memory_space<hbm>>) target(%arg7 : memref<80xi32, #tpu.memory_space<vmem>>) target_semaphore(%run_scoped3A : memref<!tpu.dma_semaphore, #tpu.memory_space<semaphore_mem>>)
        %dma_wait3A = tpu.memref_slice %arg3[%add3A_26] : memref<320000xi32, #tpu.memory_space<hbm>> -> memref<80xi32, #tpu.memory_space<hbm>>
        %dma_wait3A_31 = tpu.memref_slice %arg3[%add3A_26] : memref<320000xi32, #tpu.memory_space<hbm>> -> memref<80xi32, #tpu.memory_space<hbm>>
        tpu.wait_dma2 semaphore(%run_scoped3A : memref<!tpu.dma_semaphore, #tpu.memory_space<semaphore_mem>>) src(%dma_wait3A_31 : memref<80xi32, #tpu.memory_space<hbm>>) dst(%arg7 : memref<80xi32, #tpu.memory_space<vmem>>)
        tpu.yield
      }) : () -> ()
      %mul3A_27 = arith.constant 80 : i32
      %mul3A_28 = arith.muli %add3A_23, %mul3A_27 : i32
      %add3A_29 = arith.addi %mul3A_2, %mul3A_28 : i32
      "tpu.region"() ({
        %run_scoped3A = tpu.sem_alloc : memref<!tpu.dma_semaphore, #tpu.memory_space<semaphore_mem>>
        %dma_start3A = tpu.memref_slice %arg4[%add3A_29] : memref<320000xi32, #tpu.memory_space<hbm>> -> memref<80xi32, #tpu.memory_space<hbm>>
        %dma_start3A_30 = tpu.memref_slice %arg4[%add3A_29] : memref<320000xi32, #tpu.memory_space<hbm>> -> memref<80xi32, #tpu.memory_space<hbm>>
        tpu.enqueue_dma source(%dma_start3A_30 : memref<80xi32, #tpu.memory_space<hbm>>) target(%arg8 : memref<80xi32, #tpu.memory_space<vmem>>) target_semaphore(%run_scoped3A : memref<!tpu.dma_semaphore, #tpu.memory_space<semaphore_mem>>)
        %dma_wait3A = tpu.memref_slice %arg4[%add3A_29] : memref<320000xi32, #tpu.memory_space<hbm>> -> memref<80xi32, #tpu.memory_space<hbm>>
        %dma_wait3A_31 = tpu.memref_slice %arg4[%add3A_29] : memref<320000xi32, #tpu.memory_space<hbm>> -> memref<80xi32, #tpu.memory_space<hbm>>
        tpu.wait_dma2 semaphore(%run_scoped3A : memref<!tpu.dma_semaphore, #tpu.memory_space<semaphore_mem>>) src(%dma_wait3A_31 : memref<80xi32, #tpu.memory_space<hbm>>) dst(%arg8 : memref<80xi32, #tpu.memory_space<vmem>>)
        tpu.yield
      }) : () -> ()
      "tpu.region"() ({
        %run_scoped3A = tpu.sem_alloc : memref<!tpu.dma_semaphore, #tpu.memory_space<semaphore_mem>>
        %dma_start3A = arith.constant 0 : i32
        %dma_start3A_30 = arith.constant 0 : i32
        %dma_start3A_31 = tpu.memref_slice %arg2[%dma_start3A, %dma_start3A_30] : memref<10000x128xf32, #tpu.memory_space<hbm>> -> memref<10000x128xf32, #tpu.memory_space<hbm>>
        tpu.enqueue_indirect_dma source(%dma_start3A_31 : memref<10000x128xf32, #tpu.memory_space<hbm>>) target(%arg9 : memref<80x128xf32, #tpu.memory_space<vmem>>) offsets(%arg7 : memref<80xi32, #tpu.memory_space<vmem>>) semaphore(%run_scoped3A : memref<!tpu.dma_semaphore, #tpu.memory_space<semaphore_mem>>)
        %dma_wait3A = arith.constant 0 : i32
        %dma_wait3A_32 = arith.constant 0 : i32
        %dma_wait3A_33 = tpu.memref_slice %arg2[%dma_wait3A, %dma_wait3A_32] : memref<10000x128xf32, #tpu.memory_space<hbm>> -> memref<10000x128xf32, #tpu.memory_space<hbm>>
        tpu.wait_indirect_dma semaphore(%run_scoped3A : memref<!tpu.dma_semaphore, #tpu.memory_space<semaphore_mem>>) src(%dma_wait3A_33 : memref<10000x128xf32, #tpu.memory_space<hbm>>) dst(%arg9 : memref<80x128xf32, #tpu.memory_space<vmem>>)
        tpu.yield
      }) : () -> ()
      "tpu.region"() ({
        %run_scoped3A = tpu.sem_alloc : memref<!tpu.dma_semaphore, #tpu.memory_space<semaphore_mem>>
        %dma_start3A = arith.constant 0 : i32
        %dma_start3A_30 = arith.constant 0 : i32
        %dma_start3A_31 = tpu.memref_slice %arg10[%dma_start3A, %dma_start3A_30] : memref<10240x128xf32, #tpu.memory_space<vmem_shared>> -> memref<10240x128xf32, #tpu.memory_space<vmem_shared>>
        tpu.enqueue_indirect_dma source(%arg9 : memref<80x128xf32, #tpu.memory_space<vmem>>) target(%dma_start3A_31 : memref<10240x128xf32, #tpu.memory_space<vmem_shared>>) offsets(%arg8 : memref<80xi32, #tpu.memory_space<vmem>>) semaphore(%run_scoped3A : memref<!tpu.dma_semaphore, #tpu.memory_space<semaphore_mem>>) {add = true}
        %dma_wait3A = arith.constant 0 : i32
        %dma_wait3A_32 = arith.constant 0 : i32
        %dma_wait3A_33 = tpu.memref_slice %arg10[%dma_wait3A, %dma_wait3A_32] : memref<10240x128xf32, #tpu.memory_space<vmem_shared>> -> memref<10240x128xf32, #tpu.memory_space<vmem_shared>>
        tpu.wait_indirect_dma semaphore(%run_scoped3A : memref<!tpu.dma_semaphore, #tpu.memory_space<semaphore_mem>>) src(%arg9 : memref<80x128xf32, #tpu.memory_space<vmem>>) dst(%dma_wait3A_33 : memref<10240x128xf32, #tpu.memory_space<vmem_shared>>)
        tpu.yield
      }) : () -> ()
    }
    %scan3A_10 = arith.constant 125 : i32
    %barrier3A_11 = arith.constant 0 : index
    tpu.barrier barrier_id(%barrier3A_11)
    %mul3A_12 = arith.constant 640 : i32
    %mul3A_13 = arith.muli %arg1, %mul3A_12 : i32
    %mul3A_14 = arith.constant 10240 : i32
    %mul3A_15 = arith.muli %arg0, %mul3A_14 : i32
    %mul3A_16 = arith.constant 640 : i32
    %mul3A_17 = arith.muli %arg1, %mul3A_16 : i32
    %add3A_18 = arith.addi %mul3A_15, %mul3A_17 : i32
    "tpu.region"() ({
      %run_scoped3A = tpu.sem_alloc : memref<!tpu.dma_semaphore, #tpu.memory_space<semaphore_mem>>
      %dma_start3A = arith.constant 0 : i32
      %dma_start3A_19 = tpu.memref_slice %arg6[%add3A_18, %dma_start3A] : memref<20480x128xf32, #tpu.memory_space<hbm>> -> memref<640x128xf32, #tpu.memory_space<hbm>>
      %dma_start3A_20 = arith.constant 0 : i32
      %dma_start3A_21 = tpu.memref_slice %arg10[%mul3A_13, %dma_start3A_20] : memref<10240x128xf32, #tpu.memory_space<vmem_shared>> -> memref<640x128xf32, #tpu.memory_space<vmem_shared>>
      tpu.enqueue_dma source(%dma_start3A_21 : memref<640x128xf32, #tpu.memory_space<vmem_shared>>) target(%dma_start3A_19 : memref<640x128xf32, #tpu.memory_space<hbm>>) target_semaphore(%run_scoped3A : memref<!tpu.dma_semaphore, #tpu.memory_space<semaphore_mem>>)
      %dma_wait3A = arith.constant 0 : i32
      %dma_wait3A_22 = tpu.memref_slice %arg6[%add3A_18, %dma_wait3A] : memref<20480x128xf32, #tpu.memory_space<hbm>> -> memref<640x128xf32, #tpu.memory_space<hbm>>
      %dma_wait3A_23 = arith.constant 0 : i32
      %dma_wait3A_24 = tpu.memref_slice %arg10[%mul3A_13, %dma_wait3A_23] : memref<10240x128xf32, #tpu.memory_space<vmem_shared>> -> memref<640x128xf32, #tpu.memory_space<vmem_shared>>
      tpu.wait_dma2 semaphore(%run_scoped3A : memref<!tpu.dma_semaphore, #tpu.memory_space<semaphore_mem>>) src(%dma_wait3A_24 : memref<640x128xf32, #tpu.memory_space<vmem_shared>>) dst(%dma_wait3A_22 : memref<640x128xf32, #tpu.memory_space<hbm>>)
      tpu.yield
    }) : () -> ()
    return
  }
}

#map = affine_map<(d0, d1) -> (0, 0)>
#map1 = affine_map<(d0, d1) -> (0)>
module attributes {stable_mosaic.version = 14 : i64} {
  func.func @k(%arg0: i32, %arg1: i32, %arg2: memref<10000x128xf32, #tpu.memory_space<hbm>>, %arg3: memref<320000xi32, #tpu.memory_space<hbm>>, %arg4: memref<320000xi32, #tpu.memory_space<hbm>>, %arg5: memref<10240x128xf32, #tpu.memory_space<hbm>>, %arg6: memref<20480x128xf32, #tpu.memory_space<hbm>>, %arg7: memref<80xi32, #tpu.memory_space<vmem>>, %arg8: memref<80xi32, #tpu.memory_space<vmem>>, %arg9: memref<80x128xf32, #tpu.memory_space<vmem>>, %arg10: memref<10240x128xf32, #tpu.memory_space<vmem_shared>>) attributes {dimension_semantics = [#tpu.dimension_semantics<core_parallel>, #tpu.dimension_semantics<subcore_parallel>], iteration_bounds = array<i64: 2, 16>, scalar_prefetch = 0 : i64, scratch_operands = 4 : i64, tpu.core_type = #tpu.core_type<sc_vector_subcore>, window_params = [{transform_indices = #map}, {transform_indices = #map1}, {transform_indices = #map1}, {transform_indices = #map}, {transform_indices = #map}]} {
    %mul3A = arith.constant 16 : i32
    %mul3A_0 = arith.muli %arg0, %mul3A : i32
    %add3A = arith.addi %mul3A_0, %arg1 : i32
    %mul3A_1 = arith.constant 10000 : i32
    %mul3A_2 = arith.muli %add3A, %mul3A_1 : i32
    %mul3A_3 = arith.constant 640 : i32
    %mul3A_4 = arith.muli %arg1, %mul3A_3 : i32
    %mul3A_5 = arith.constant 640 : i32
    %mul3A_6 = arith.muli %arg1, %mul3A_5 : i32
    "tpu.region"() ({
      %run_scoped3A = tpu.sem_alloc : memref<!tpu.dma_semaphore, #tpu.memory_space<semaphore_mem>>
      %dma_start3A = arith.constant 0 : i32
      %dma_start3A_19 = tpu.memref_slice %arg10[%mul3A_6, %dma_start3A] : memref<10240x128xf32, #tpu.memory_space<vmem_shared>> -> memref<640x128xf32, #tpu.memory_space<vmem_shared>>
      %dma_start3A_20 = arith.constant 0 : i32
      %dma_start3A_21 = tpu.memref_slice %arg5[%mul3A_4, %dma_start3A_20] : memref<10240x128xf32, #tpu.memory_space<hbm>> -> memref<640x128xf32, #tpu.memory_space<hbm>>
      tpu.enqueue_dma source(%dma_start3A_21 : memref<640x128xf32, #tpu.memory_space<hbm>>) target(%dma_start3A_19 : memref<640x128xf32, #tpu.memory_space<vmem_shared>>) target_semaphore(%run_scoped3A : memref<!tpu.dma_semaphore, #tpu.memory_space<semaphore_mem>>)
      %dma_wait3A = arith.constant 0 : i32
      %dma_wait3A_22 = tpu.memref_slice %arg10[%mul3A_6, %dma_wait3A] : memref<10240x128xf32, #tpu.memory_space<vmem_shared>> -> memref<640x128xf32, #tpu.memory_space<vmem_shared>>
      %dma_wait3A_23 = arith.constant 0 : i32
      %dma_wait3A_24 = tpu.memref_slice %arg5[%mul3A_4, %dma_wait3A_23] : memref<10240x128xf32, #tpu.memory_space<hbm>> -> memref<640x128xf32, #tpu.memory_space<hbm>>
      tpu.wait_dma2 semaphore(%run_scoped3A : memref<!tpu.dma_semaphore, #tpu.memory_space<semaphore_mem>>) src(%dma_wait3A_24 : memref<640x128xf32, #tpu.memory_space<hbm>>) dst(%dma_wait3A_22 : memref<640x128xf32, #tpu.memory_space<vmem_shared>>)
      tpu.yield
    }) : () -> ()
    %barrier3A = arith.constant 0 : index
    tpu.barrier barrier_id(%barrier3A)
    %scan3A = arith.constant 0 : i32
    %scan3A_7 = arith.constant 125 : i32
    %scan3A_8 = arith.addi %scan3A, %scan3A_7 : i32
    %scan3A_9 = arith.constant 1 : i32
    scf.for %scan3A_19 = %scan3A to %scan3A_8 step %scan3A_9  : i32 {
      %mul3A_20 = arith.constant 1 : i32
      %mul3A_21 = arith.muli %scan3A_19, %mul3A_20 : i32
      %add3A_22 = arith.constant 0 : i32
      %add3A_23 = arith.addi %add3A_22, %mul3A_21 : i32
      %mul3A_24 = arith.constant 80 : i32
      %mul3A_25 = arith.muli %add3A_23, %mul3A_24 : i32
      %add3A_26 = arith.addi %mul3A_2, %mul3A_25 : i32
      "tpu.region"() ({
        %run_scoped3A = tpu.sem_alloc : memref<!tpu.dma_semaphore, #tpu.memory_space<semaphore_mem>>
        %dma_start3A = tpu.memref_slice %arg3[%add3A_26] : memref<320000xi32, #tpu.memory_space<hbm>> -> memref<80xi32, #tpu.memory_space<hbm>>
        %dma_start3A_30 = tpu.memref_slice %arg3[%add3A_26] : memref<320000xi32, #tpu.memory_space<hbm>> -> memref<80xi32, #tpu.memory_space<hbm>>
        tpu.enqueue_dma source(%dma_start3A_30 : memref<80xi32, #tpu.memory_space<hbm>>) target(%arg7 : memref<80xi32, #tpu.memory_space<vmem>>) target_semaphore(%run_scoped3A : memref<!tpu.dma_semaphore, #tpu.memory_space<semaphore_mem>>)
        %dma_wait3A = tpu.memref_slice %arg3[%add3A_26] : memref<320000xi32, #tpu.memory_space<hbm>> -> memref<80xi32, #tpu.memory_space<hbm>>
        %dma_wait3A_31 = tpu.memref_slice %arg3[%add3A_26] : memref<320000xi32, #tpu.memory_space<hbm>> -> memref<80xi32, #tpu.memory_space<hbm>>
        tpu.wait_dma2 semaphore(%run_scoped3A : memref<!tpu.dma_semaphore, #tpu.memory_space<semaphore_mem>>) src(%dma_wait3A_31 : memref<80xi32, #tpu.memory_space<hbm>>) dst(%arg7 : memref<80xi32, #tpu.memory_space<vmem>>)
        tpu.yield
      }) : () -> ()
      %mul3A_27 = arith.constant 80 : i32
      %mul3A_28 = arith.muli %add3A_23, %mul3A_27 : i32
      %add3A_29 = arith.addi %mul3A_2, %mul3A_28 : i32
      "tpu.region"() ({
        %run_scoped3A = tpu.sem_alloc : memref<!tpu.dma_semaphore, #tpu.memory_space<semaphore_mem>>
        %dma_start3A = tpu.memref_slice %arg4[%add3A_29] : memref<320000xi32, #tpu.memory_space<hbm>> -> memref<80xi32, #tpu.memory_space<hbm>>
        %dma_start3A_30 = tpu.memref_slice %arg4[%add3A_29] : memref<320000xi32, #tpu.memory_space<hbm>> -> memref<80xi32, #tpu.memory_space<hbm>>
        tpu.enqueue_dma source(%dma_start3A_30 : memref<80xi32, #tpu.memory_space<hbm>>) target(%arg8 : memref<80xi32, #tpu.memory_space<vmem>>) target_semaphore(%run_scoped3A : memref<!tpu.dma_semaphore, #tpu.memory_space<semaphore_mem>>)
        %dma_wait3A = tpu.memref_slice %arg4[%add3A_29] : memref<320000xi32, #tpu.memory_space<hbm>> -> memref<80xi32, #tpu.memory_space<hbm>>
        %dma_wait3A_31 = tpu.memref_slice %arg4[%add3A_29] : memref<320000xi32, #tpu.memory_space<hbm>> -> memref<80xi32, #tpu.memory_space<hbm>>
        tpu.wait_dma2 semaphore(%run_scoped3A : memref<!tpu.dma_semaphore, #tpu.memory_space<semaphore_mem>>) src(%dma_wait3A_31 : memref<80xi32, #tpu.memory_space<hbm>>) dst(%arg8 : memref<80xi32, #tpu.memory_space<vmem>>)
        tpu.yield
      }) : () -> ()
      "tpu.region"() ({
        %run_scoped3A = tpu.sem_alloc : memref<!tpu.dma_semaphore, #tpu.memory_space<semaphore_mem>>
        %dma_start3A = arith.constant 0 : i32
        %dma_start3A_30 = arith.constant 0 : i32
        %dma_start3A_31 = tpu.memref_slice %arg2[%dma_start3A, %dma_start3A_30] : memref<10000x128xf32, #tpu.memory_space<hbm>> -> memref<10000x128xf32, #tpu.memory_space<hbm>>
        tpu.enqueue_indirect_dma source(%dma_start3A_31 : memref<10000x128xf32, #tpu.memory_space<hbm>>) target(%arg9 : memref<80x128xf32, #tpu.memory_space<vmem>>) offsets(%arg7 : memref<80xi32, #tpu.memory_space<vmem>>) semaphore(%run_scoped3A : memref<!tpu.dma_semaphore, #tpu.memory_space<semaphore_mem>>)
        %dma_wait3A = arith.constant 0 : i32
        %dma_wait3A_32 = arith.constant 0 : i32
        %dma_wait3A_33 = tpu.memref_slice %arg2[%dma_wait3A, %dma_wait3A_32] : memref<10000x128xf32, #tpu.memory_space<hbm>> -> memref<10000x128xf32, #tpu.memory_space<hbm>>
        tpu.wait_indirect_dma semaphore(%run_scoped3A : memref<!tpu.dma_semaphore, #tpu.memory_space<semaphore_mem>>) src(%dma_wait3A_33 : memref<10000x128xf32, #tpu.memory_space<hbm>>) dst(%arg9 : memref<80x128xf32, #tpu.memory_space<vmem>>)
        tpu.yield
      }) : () -> ()
      "tpu.region"() ({
        %run_scoped3A = tpu.sem_alloc : memref<!tpu.dma_semaphore, #tpu.memory_space<semaphore_mem>>
        %dma_start3A = arith.constant 0 : i32
        %dma_start3A_30 = arith.constant 0 : i32
        %dma_start3A_31 = tpu.memref_slice %arg10[%dma_start3A, %dma_start3A_30] : memref<10240x128xf32, #tpu.memory_space<vmem_shared>> -> memref<10240x128xf32, #tpu.memory_space<vmem_shared>>
        tpu.enqueue_indirect_dma source(%arg9 : memref<80x128xf32, #tpu.memory_space<vmem>>) target(%dma_start3A_31 : memref<10240x128xf32, #tpu.memory_space<vmem_shared>>) offsets(%arg8 : memref<80xi32, #tpu.memory_space<vmem>>) semaphore(%run_scoped3A : memref<!tpu.dma_semaphore, #tpu.memory_space<semaphore_mem>>) {add = true}
        %dma_wait3A = arith.constant 0 : i32
        %dma_wait3A_32 = arith.constant 0 : i32
        %dma_wait3A_33 = tpu.memref_slice %arg10[%dma_wait3A, %dma_wait3A_32] : memref<10240x128xf32, #tpu.memory_space<vmem_shared>> -> memref<10240x128xf32, #tpu.memory_space<vmem_shared>>
        tpu.wait_indirect_dma semaphore(%run_scoped3A : memref<!tpu.dma_semaphore, #tpu.memory_space<semaphore_mem>>) src(%arg9 : memref<80x128xf32, #tpu.memory_space<vmem>>) dst(%dma_wait3A_33 : memref<10240x128xf32, #tpu.memory_space<vmem_shared>>)
        tpu.yield
      }) : () -> ()
    }
    %scan3A_10 = arith.constant 125 : i32
    %barrier3A_11 = arith.constant 0 : index
    tpu.barrier barrier_id(%barrier3A_11)
    %mul3A_12 = arith.constant 640 : i32
    %mul3A_13 = arith.muli %arg1, %mul3A_12 : i32
    %mul3A_14 = arith.constant 10240 : i32
    %mul3A_15 = arith.muli %arg0, %mul3A_14 : i32
    %mul3A_16 = arith.constant 640 : i32
    %mul3A_17 = arith.muli %arg1, %mul3A_16 : i32
    %add3A_18 = arith.addi %mul3A_15, %mul3A_17 : i32
    "tpu.region"() ({
      %run_scoped3A = tpu.sem_alloc : memref<!tpu.dma_semaphore, #tpu.memory_space<semaphore_mem>>
      %dma_start3A = arith.constant 0 : i32
      %dma_start3A_19 = tpu.memref_slice %arg6[%add3A_18, %dma_start3A] : memref<20480x128xf32, #tpu.memory_space<hbm>> -> memref<640x128xf32, #tpu.memory_space<hbm>>
      %dma_start3A_20 = arith.constant 0 : i32
      %dma_start3A_21 = tpu.memref_slice %arg10[%mul3A_13, %dma_start3A_20] : memref<10240x128xf32, #tpu.memory_space<vmem_shared>> -> memref<640x128xf32, #tpu.memory_space<vmem_shared>>
      tpu.enqueue_dma source(%dma_start3A_21 : memref<640x128xf32, #tpu.memory_space<vmem_shared>>) target(%dma_start3A_19 : memref<640x128xf32, #tpu.memory_space<hbm>>) target_semaphore(%run_scoped3A : memref<!tpu.dma_semaphore, #tpu.memory_space<semaphore_mem>>)
      %dma_wait3A = arith.constant 0 : i32
      %dma_wait3A_22 = tpu.memref_slice %arg6[%add3A_18, %dma_wait3A] : memref<20480x128xf32, #tpu.memory_space<hbm>> -> memref<640x128xf32, #tpu.memory_space<hbm>>
      %dma_wait3A_23 = arith.constant 0 : i32
      %dma_wait3A_24 = tpu.memref_slice %arg10[%mul3A_13, %dma_wait3A_23] : memref<10240x128xf32, #tpu.memory_space<vmem_shared>> -> memref<640x128xf32, #tpu.memory_space<vmem_shared>>
      tpu.wait_dma2 semaphore(%run_scoped3A : memref<!tpu.dma_semaphore, #tpu.memory_space<semaphore_mem>>) src(%dma_wait3A_24 : memref<640x128xf32, #tpu.memory_space<vmem_shared>>) dst(%dma_wait3A_22 : memref<640x128xf32, #tpu.memory_space<hbm>>)
      tpu.yield
    }) : () -> ()
    return
  }
}

#map = affine_map<(d0, d1) -> (0)>
#map1 = affine_map<(d0, d1) -> (0, 0)>
module attributes {stable_mosaic.version = 14 : i64} {
  func.func @k(%arg0: i32, %arg1: i32, %arg2: memref<320000xi32, #tpu.memory_space<hbm>>, %arg3: memref<80x16xf32, #tpu.memory_space<hbm>>, %arg4: memref<10240x16xf32, #tpu.memory_space<hbm>>, %arg5: memref<20480x16xf32, #tpu.memory_space<hbm>>, %arg6: memref<80xi32, #tpu.memory_space<vmem>>, %arg7: memref<80x16xf32, #tpu.memory_space<vmem>>, %arg8: memref<10240x16xf32, #tpu.memory_space<vmem_shared>>) attributes {dimension_semantics = [#tpu.dimension_semantics<core_parallel>, #tpu.dimension_semantics<subcore_parallel>], iteration_bounds = array<i64: 2, 16>, scalar_prefetch = 0 : i64, scratch_operands = 3 : i64, tpu.core_type = #tpu.core_type<sc_vector_subcore>, window_params = [{transform_indices = #map}, {transform_indices = #map1}, {transform_indices = #map1}, {transform_indices = #map1}]} {
    %mul3A = arith.constant 16 : i32
    %mul3A_0 = arith.muli %arg0, %mul3A : i32
    %add3A = arith.addi %mul3A_0, %arg1 : i32
    %mul3A_1 = arith.constant 10000 : i32
    %mul3A_2 = arith.muli %add3A, %mul3A_1 : i32
    %mul3A_3 = arith.constant 640 : i32
    %mul3A_4 = arith.muli %arg1, %mul3A_3 : i32
    %mul3A_5 = arith.constant 640 : i32
    %mul3A_6 = arith.muli %arg1, %mul3A_5 : i32
    "tpu.region"() ({
      %run_scoped3A = tpu.sem_alloc : memref<!tpu.dma_semaphore, #tpu.memory_space<semaphore_mem>>
      %dma_start3A = arith.constant 0 : i32
      %dma_start3A_19 = tpu.memref_slice %arg8[%mul3A_6, %dma_start3A] : memref<10240x16xf32, #tpu.memory_space<vmem_shared>> -> memref<640x16xf32, #tpu.memory_space<vmem_shared>>
      %dma_start3A_20 = arith.constant 0 : i32
      %dma_start3A_21 = tpu.memref_slice %arg4[%mul3A_4, %dma_start3A_20] : memref<10240x16xf32, #tpu.memory_space<hbm>> -> memref<640x16xf32, #tpu.memory_space<hbm>>
      tpu.enqueue_dma source(%dma_start3A_21 : memref<640x16xf32, #tpu.memory_space<hbm>>) target(%dma_start3A_19 : memref<640x16xf32, #tpu.memory_space<vmem_shared>>) target_semaphore(%run_scoped3A : memref<!tpu.dma_semaphore, #tpu.memory_space<semaphore_mem>>)
      %dma_wait3A = arith.constant 0 : i32
      %dma_wait3A_22 = tpu.memref_slice %arg8[%mul3A_6, %dma_wait3A] : memref<10240x16xf32, #tpu.memory_space<vmem_shared>> -> memref<640x16xf32, #tpu.memory_space<vmem_shared>>
      %dma_wait3A_23 = arith.constant 0 : i32
      %dma_wait3A_24 = tpu.memref_slice %arg4[%mul3A_4, %dma_wait3A_23] : memref<10240x16xf32, #tpu.memory_space<hbm>> -> memref<640x16xf32, #tpu.memory_space<hbm>>
      tpu.wait_dma2 semaphore(%run_scoped3A : memref<!tpu.dma_semaphore, #tpu.memory_space<semaphore_mem>>) src(%dma_wait3A_24 : memref<640x16xf32, #tpu.memory_space<hbm>>) dst(%dma_wait3A_22 : memref<640x16xf32, #tpu.memory_space<vmem_shared>>)
      tpu.yield
    }) : () -> ()
    "tpu.region"() ({
      %run_scoped3A = tpu.sem_alloc : memref<!tpu.dma_semaphore, #tpu.memory_space<semaphore_mem>>
      tpu.enqueue_dma source(%arg3 : memref<80x16xf32, #tpu.memory_space<hbm>>) target(%arg7 : memref<80x16xf32, #tpu.memory_space<vmem>>) target_semaphore(%run_scoped3A : memref<!tpu.dma_semaphore, #tpu.memory_space<semaphore_mem>>)
      tpu.wait_dma2 semaphore(%run_scoped3A : memref<!tpu.dma_semaphore, #tpu.memory_space<semaphore_mem>>) src(%arg3 : memref<80x16xf32, #tpu.memory_space<hbm>>) dst(%arg7 : memref<80x16xf32, #tpu.memory_space<vmem>>)
      tpu.yield
    }) : () -> ()
    %barrier3A = arith.constant 0 : index
    tpu.barrier barrier_id(%barrier3A)
    %scan3A = arith.constant 0 : i32
    %scan3A_7 = arith.constant 125 : i32
    %scan3A_8 = arith.addi %scan3A, %scan3A_7 : i32
    %scan3A_9 = arith.constant 1 : i32
    scf.for %scan3A_19 = %scan3A to %scan3A_8 step %scan3A_9  : i32 {
      %mul3A_20 = arith.constant 1 : i32
      %mul3A_21 = arith.muli %scan3A_19, %mul3A_20 : i32
      %add3A_22 = arith.constant 0 : i32
      %add3A_23 = arith.addi %add3A_22, %mul3A_21 : i32
      %mul3A_24 = arith.constant 80 : i32
      %mul3A_25 = arith.muli %add3A_23, %mul3A_24 : i32
      %add3A_26 = arith.addi %mul3A_2, %mul3A_25 : i32
      "tpu.region"() ({
        %run_scoped3A = tpu.sem_alloc : memref<!tpu.dma_semaphore, #tpu.memory_space<semaphore_mem>>
        %dma_start3A = tpu.memref_slice %arg2[%add3A_26] : memref<320000xi32, #tpu.memory_space<hbm>> -> memref<80xi32, #tpu.memory_space<hbm>>
        %dma_start3A_27 = tpu.memref_slice %arg2[%add3A_26] : memref<320000xi32, #tpu.memory_space<hbm>> -> memref<80xi32, #tpu.memory_space<hbm>>
        tpu.enqueue_dma source(%dma_start3A_27 : memref<80xi32, #tpu.memory_space<hbm>>) target(%arg6 : memref<80xi32, #tpu.memory_space<vmem>>) target_semaphore(%run_scoped3A : memref<!tpu.dma_semaphore, #tpu.memory_space<semaphore_mem>>)
        %dma_wait3A = tpu.memref_slice %arg2[%add3A_26] : memref<320000xi32, #tpu.memory_space<hbm>> -> memref<80xi32, #tpu.memory_space<hbm>>
        %dma_wait3A_28 = tpu.memref_slice %arg2[%add3A_26] : memref<320000xi32, #tpu.memory_space<hbm>> -> memref<80xi32, #tpu.memory_space<hbm>>
        tpu.wait_dma2 semaphore(%run_scoped3A : memref<!tpu.dma_semaphore, #tpu.memory_space<semaphore_mem>>) src(%dma_wait3A_28 : memref<80xi32, #tpu.memory_space<hbm>>) dst(%arg6 : memref<80xi32, #tpu.memory_space<vmem>>)
        tpu.yield
      }) : () -> ()
      "tpu.region"() ({
        %run_scoped3A = tpu.sem_alloc : memref<!tpu.dma_semaphore, #tpu.memory_space<semaphore_mem>>
        %dma_start3A = arith.constant 0 : i32
        %dma_start3A_27 = arith.constant 0 : i32
        %dma_start3A_28 = tpu.memref_slice %arg8[%dma_start3A, %dma_start3A_27] : memref<10240x16xf32, #tpu.memory_space<vmem_shared>> -> memref<10240x16xf32, #tpu.memory_space<vmem_shared>>
        tpu.enqueue_indirect_dma source(%arg7 : memref<80x16xf32, #tpu.memory_space<vmem>>) target(%dma_start3A_28 : memref<10240x16xf32, #tpu.memory_space<vmem_shared>>) offsets(%arg6 : memref<80xi32, #tpu.memory_space<vmem>>) semaphore(%run_scoped3A : memref<!tpu.dma_semaphore, #tpu.memory_space<semaphore_mem>>) {add = true}
        %dma_wait3A = arith.constant 0 : i32
        %dma_wait3A_29 = arith.constant 0 : i32
        %dma_wait3A_30 = tpu.memref_slice %arg8[%dma_wait3A, %dma_wait3A_29] : memref<10240x16xf32, #tpu.memory_space<vmem_shared>> -> memref<10240x16xf32, #tpu.memory_space<vmem_shared>>
        tpu.wait_indirect_dma semaphore(%run_scoped3A : memref<!tpu.dma_semaphore, #tpu.memory_space<semaphore_mem>>) src(%arg7 : memref<80x16xf32, #tpu.memory_space<vmem>>) dst(%dma_wait3A_30 : memref<10240x16xf32, #tpu.memory_space<vmem_shared>>)
        tpu.yield
      }) : () -> ()
    }
    %scan3A_10 = arith.constant 125 : i32
    %barrier3A_11 = arith.constant 0 : index
    tpu.barrier barrier_id(%barrier3A_11)
    %mul3A_12 = arith.constant 640 : i32
    %mul3A_13 = arith.muli %arg1, %mul3A_12 : i32
    %mul3A_14 = arith.constant 10240 : i32
    %mul3A_15 = arith.muli %arg0, %mul3A_14 : i32
    %mul3A_16 = arith.constant 640 : i32
    %mul3A_17 = arith.muli %arg1, %mul3A_16 : i32
    %add3A_18 = arith.addi %mul3A_15, %mul3A_17 : i32
    "tpu.region"() ({
      %run_scoped3A = tpu.sem_alloc : memref<!tpu.dma_semaphore, #tpu.memory_space<semaphore_mem>>
      %dma_start3A = arith.constant 0 : i32
      %dma_start3A_19 = tpu.memref_slice %arg5[%add3A_18, %dma_start3A] : memref<20480x16xf32, #tpu.memory_space<hbm>> -> memref<640x16xf32, #tpu.memory_space<hbm>>
      %dma_start3A_20 = arith.constant 0 : i32
      %dma_start3A_21 = tpu.memref_slice %arg8[%mul3A_13, %dma_start3A_20] : memref<10240x16xf32, #tpu.memory_space<vmem_shared>> -> memref<640x16xf32, #tpu.memory_space<vmem_shared>>
      tpu.enqueue_dma source(%dma_start3A_21 : memref<640x16xf32, #tpu.memory_space<vmem_shared>>) target(%dma_start3A_19 : memref<640x16xf32, #tpu.memory_space<hbm>>) target_semaphore(%run_scoped3A : memref<!tpu.dma_semaphore, #tpu.memory_space<semaphore_mem>>)
      %dma_wait3A = arith.constant 0 : i32
      %dma_wait3A_22 = tpu.memref_slice %arg5[%add3A_18, %dma_wait3A] : memref<20480x16xf32, #tpu.memory_space<hbm>> -> memref<640x16xf32, #tpu.memory_space<hbm>>
      %dma_wait3A_23 = arith.constant 0 : i32
      %dma_wait3A_24 = tpu.memref_slice %arg8[%mul3A_13, %dma_wait3A_23] : memref<10240x16xf32, #tpu.memory_space<vmem_shared>> -> memref<640x16xf32, #tpu.memory_space<vmem_shared>>
      tpu.wait_dma2 semaphore(%run_scoped3A : memref<!tpu.dma_semaphore, #tpu.memory_space<semaphore_mem>>) src(%dma_wait3A_24 : memref<640x16xf32, #tpu.memory_space<vmem_shared>>) dst(%dma_wait3A_22 : memref<640x16xf32, #tpu.memory_space<hbm>>)
      tpu.yield
    }) : () -> ()
    return
  }
}

#map = affine_map<(d0, d1) -> (0, 0)>
#map1 = affine_map<(d0, d1) -> (0)>
module attributes {stable_mosaic.version = 14 : i64} {
  func.func @k(%arg0: i32, %arg1: i32, %arg2: memref<10000x128xf32, #tpu.memory_space<hbm>>, %arg3: memref<10000x128xf32, #tpu.memory_space<hbm>>, %arg4: memref<320000xi32, #tpu.memory_space<hbm>>, %arg5: memref<320000xi32, #tpu.memory_space<hbm>>, %arg6: memref<320000x128xf32, #tpu.memory_space<hbm>>, %arg7: memref<80xi32, #tpu.memory_space<vmem>>, %arg8: memref<80xi32, #tpu.memory_space<vmem>>, %arg9: memref<80xi32, #tpu.memory_space<vmem>>, %arg10: memref<80x128xf32, #tpu.memory_space<vmem>>, %arg11: memref<80x128xf32, #tpu.memory_space<vmem>>, %arg12: memref<1280x128xf32, #tpu.memory_space<vmem_shared>>) attributes {dimension_semantics = [#tpu.dimension_semantics<core_parallel>, #tpu.dimension_semantics<subcore_parallel>], iteration_bounds = array<i64: 2, 16>, scalar_prefetch = 0 : i64, scratch_operands = 6 : i64, tpu.core_type = #tpu.core_type<sc_vector_subcore>, window_params = [{transform_indices = #map}, {transform_indices = #map}, {transform_indices = #map1}, {transform_indices = #map1}, {transform_indices = #map}]} {
    %mul3A = arith.constant 16 : i32
    %mul3A_0 = arith.muli %arg0, %mul3A : i32
    %add3A = arith.addi %mul3A_0, %arg1 : i32
    %mul3A_1 = arith.constant 10000 : i32
    %mul3A_2 = arith.muli %add3A, %mul3A_1 : i32
    %iota3A = tpu.iota {dimensions = array<i32: 0>} : vector<16xi32>
    %mul3A_3 = arith.constant 80 : i32
    %mul3A_4 = arith.muli %arg1, %mul3A_3 : i32
    %add3A_5 = arith.constant 0 : i32
    %add3A_6 = arith.addi %mul3A_4, %add3A_5 : i32
    %add3A_7 = vector.broadcast %add3A_6 : i32 to vector<16xi32>
    %add3A_8 = arith.addi %iota3A, %add3A_7 : vector<16xi32>
    %swap3A = arith.constant 0 : index
    %swap3A_9 = tpu.vector_load %arg9[%swap3A] {strides = array<i32>} : memref<80xi32, #tpu.memory_space<vmem>>, vector<16xi32>,
    %swap3A_10 = vector.shape_cast %swap3A_9 : vector<16xi32> to vector<16xi32>
    %swap3A_11 = vector.shape_cast %add3A_8 : vector<16xi32> to vector<16xi32>
    tpu.vector_store %arg9[%swap3A], %swap3A_11 {strides = array<i32>} : memref<80xi32, #tpu.memory_space<vmem>>, vector<16xi32>,
    %iota3A_12 = tpu.iota {dimensions = array<i32: 0>} : vector<16xi32>
    %mul3A_13 = arith.constant 80 : i32
    %mul3A_14 = arith.muli %arg1, %mul3A_13 : i32
    %add3A_15 = arith.constant 16 : i32
    %add3A_16 = arith.addi %mul3A_14, %add3A_15 : i32
    %add3A_17 = vector.broadcast %add3A_16 : i32 to vector<16xi32>
    %add3A_18 = arith.addi %iota3A_12, %add3A_17 : vector<16xi32>
    %swap3A_19 = arith.constant 16 : index
    %swap3A_20 = tpu.vector_load %arg9[%swap3A_19] {strides = array<i32>} : memref<80xi32, #tpu.memory_space<vmem>>, vector<16xi32>,
    %swap3A_21 = vector.shape_cast %swap3A_20 : vector<16xi32> to vector<16xi32>
    %swap3A_22 = vector.shape_cast %add3A_18 : vector<16xi32> to vector<16xi32>
    tpu.vector_store %arg9[%swap3A_19], %swap3A_22 {strides = array<i32>} : memref<80xi32, #tpu.memory_space<vmem>>, vector<16xi32>,
    %iota3A_23 = tpu.iota {dimensions = array<i32: 0>} : vector<16xi32>
    %mul3A_24 = arith.constant 80 : i32
    %mul3A_25 = arith.muli %arg1, %mul3A_24 : i32
    %add3A_26 = arith.constant 32 : i32
    %add3A_27 = arith.addi %mul3A_25, %add3A_26 : i32
    %add3A_28 = vector.broadcast %add3A_27 : i32 to vector<16xi32>
    %add3A_29 = arith.addi %iota3A_23, %add3A_28 : vector<16xi32>
    %swap3A_30 = arith.constant 32 : index
    %swap3A_31 = tpu.vector_load %arg9[%swap3A_30] {strides = array<i32>} : memref<80xi32, #tpu.memory_space<vmem>>, vector<16xi32>,
    %swap3A_32 = vector.shape_cast %swap3A_31 : vector<16xi32> to vector<16xi32>
    %swap3A_33 = vector.shape_cast %add3A_29 : vector<16xi32> to vector<16xi32>
    tpu.vector_store %arg9[%swap3A_30], %swap3A_33 {strides = array<i32>} : memref<80xi32, #tpu.memory_space<vmem>>, vector<16xi32>,
    %iota3A_34 = tpu.iota {dimensions = array<i32: 0>} : vector<16xi32>
    %mul3A_35 = arith.constant 80 : i32
    %mul3A_36 = arith.muli %arg1, %mul3A_35 : i32
    %add3A_37 = arith.constant 48 : i32
    %add3A_38 = arith.addi %mul3A_36, %add3A_37 : i32
    %add3A_39 = vector.broadcast %add3A_38 : i32 to vector<16xi32>
    %add3A_40 = arith.addi %iota3A_34, %add3A_39 : vector<16xi32>
    %swap3A_41 = arith.constant 48 : index
    %swap3A_42 = tpu.vector_load %arg9[%swap3A_41] {strides = array<i32>} : memref<80xi32, #tpu.memory_space<vmem>>, vector<16xi32>,
    %swap3A_43 = vector.shape_cast %swap3A_42 : vector<16xi32> to vector<16xi32>
    %swap3A_44 = vector.shape_cast %add3A_40 : vector<16xi32> to vector<16xi32>
    tpu.vector_store %arg9[%swap3A_41], %swap3A_44 {strides = array<i32>} : memref<80xi32, #tpu.memory_space<vmem>>, vector<16xi32>,
    %iota3A_45 = tpu.iota {dimensions = array<i32: 0>} : vector<16xi32>
    %mul3A_46 = arith.constant 80 : i32
    %mul3A_47 = arith.muli %arg1, %mul3A_46 : i32
    %add3A_48 = arith.constant 64 : i32
    %add3A_49 = arith.addi %mul3A_47, %add3A_48 : i32
    %add3A_50 = vector.broadcast %add3A_49 : i32 to vector<16xi32>
    %add3A_51 = arith.addi %iota3A_45, %add3A_50 : vector<16xi32>
    %swap3A_52 = arith.constant 64 : index
    %swap3A_53 = tpu.vector_load %arg9[%swap3A_52] {strides = array<i32>} : memref<80xi32, #tpu.memory_space<vmem>>, vector<16xi32>,
    %swap3A_54 = vector.shape_cast %swap3A_53 : vector<16xi32> to vector<16xi32>
    %swap3A_55 = vector.shape_cast %add3A_51 : vector<16xi32> to vector<16xi32>
    tpu.vector_store %arg9[%swap3A_52], %swap3A_55 {strides = array<i32>} : memref<80xi32, #tpu.memory_space<vmem>>, vector<16xi32>,
    %scan3A = arith.constant 0 : i32
    %scan3A_56 = arith.constant 125 : i32
    %scan3A_57 = arith.addi %scan3A, %scan3A_56 : i32
    %scan3A_58 = arith.constant 1 : i32
    scf.for %scan3A_60 = %scan3A to %scan3A_57 step %scan3A_58  : i32 {
      %mul3A_61 = arith.constant 1 : i32
      %mul3A_62 = arith.muli %scan3A_60, %mul3A_61 : i32
      %add3A_63 = arith.constant 0 : i32
      %add3A_64 = arith.addi %add3A_63, %mul3A_62 : i32
      %mul3A_65 = arith.constant 80 : i32
      %mul3A_66 = arith.muli %add3A_64, %mul3A_65 : i32
      %add3A_67 = arith.addi %mul3A_2, %mul3A_66 : i32
      "tpu.region"() ({
        %run_scoped3A = tpu.sem_alloc : memref<!tpu.dma_semaphore, #tpu.memory_space<semaphore_mem>>
        %dma_start3A = tpu.memref_slice %arg4[%add3A_67] : memref<320000xi32, #tpu.memory_space<hbm>> -> memref<80xi32, #tpu.memory_space<hbm>>
        %dma_start3A_72 = tpu.memref_slice %arg4[%add3A_67] : memref<320000xi32, #tpu.memory_space<hbm>> -> memref<80xi32, #tpu.memory_space<hbm>>
        tpu.enqueue_dma source(%dma_start3A_72 : memref<80xi32, #tpu.memory_space<hbm>>) target(%arg7 : memref<80xi32, #tpu.memory_space<vmem>>) target_semaphore(%run_scoped3A : memref<!tpu.dma_semaphore, #tpu.memory_space<semaphore_mem>>)
        %dma_wait3A = tpu.memref_slice %arg4[%add3A_67] : memref<320000xi32, #tpu.memory_space<hbm>> -> memref<80xi32, #tpu.memory_space<hbm>>
        %dma_wait3A_73 = tpu.memref_slice %arg4[%add3A_67] : memref<320000xi32, #tpu.memory_space<hbm>> -> memref<80xi32, #tpu.memory_space<hbm>>
        tpu.wait_dma2 semaphore(%run_scoped3A : memref<!tpu.dma_semaphore, #tpu.memory_space<semaphore_mem>>) src(%dma_wait3A_73 : memref<80xi32, #tpu.memory_space<hbm>>) dst(%arg7 : memref<80xi32, #tpu.memory_space<vmem>>)
        tpu.yield
      }) : () -> ()
      "tpu.region"() ({
        %run_scoped3A = tpu.sem_alloc : memref<!tpu.dma_semaphore, #tpu.memory_space<semaphore_mem>>
        %dma_start3A = tpu.memref_slice %arg5[%add3A_67] : memref<320000xi32, #tpu.memory_space<hbm>> -> memref<80xi32, #tpu.memory_space<hbm>>
        %dma_start3A_72 = tpu.memref_slice %arg5[%add3A_67] : memref<320000xi32, #tpu.memory_space<hbm>> -> memref<80xi32, #tpu.memory_space<hbm>>
        tpu.enqueue_dma source(%dma_start3A_72 : memref<80xi32, #tpu.memory_space<hbm>>) target(%arg8 : memref<80xi32, #tpu.memory_space<vmem>>) target_semaphore(%run_scoped3A : memref<!tpu.dma_semaphore, #tpu.memory_space<semaphore_mem>>)
        %dma_wait3A = tpu.memref_slice %arg5[%add3A_67] : memref<320000xi32, #tpu.memory_space<hbm>> -> memref<80xi32, #tpu.memory_space<hbm>>
        %dma_wait3A_73 = tpu.memref_slice %arg5[%add3A_67] : memref<320000xi32, #tpu.memory_space<hbm>> -> memref<80xi32, #tpu.memory_space<hbm>>
        tpu.wait_dma2 semaphore(%run_scoped3A : memref<!tpu.dma_semaphore, #tpu.memory_space<semaphore_mem>>) src(%dma_wait3A_73 : memref<80xi32, #tpu.memory_space<hbm>>) dst(%arg8 : memref<80xi32, #tpu.memory_space<vmem>>)
        tpu.yield
      }) : () -> ()
      "tpu.region"() ({
        %run_scoped3A = tpu.sem_alloc : memref<!tpu.dma_semaphore, #tpu.memory_space<semaphore_mem>>
        %dma_start3A = arith.constant 0 : i32
        %dma_start3A_72 = arith.constant 0 : i32
        %dma_start3A_73 = tpu.memref_slice %arg2[%dma_start3A, %dma_start3A_72] : memref<10000x128xf32, #tpu.memory_space<hbm>> -> memref<10000x128xf32, #tpu.memory_space<hbm>>
        tpu.enqueue_indirect_dma source(%dma_start3A_73 : memref<10000x128xf32, #tpu.memory_space<hbm>>) target(%arg10 : memref<80x128xf32, #tpu.memory_space<vmem>>) offsets(%arg7 : memref<80xi32, #tpu.memory_space<vmem>>) semaphore(%run_scoped3A : memref<!tpu.dma_semaphore, #tpu.memory_space<semaphore_mem>>)
        %dma_wait3A = arith.constant 0 : i32
        %dma_wait3A_74 = arith.constant 0 : i32
        %dma_wait3A_75 = tpu.memref_slice %arg2[%dma_wait3A, %dma_wait3A_74] : memref<10000x128xf32, #tpu.memory_space<hbm>> -> memref<10000x128xf32, #tpu.memory_space<hbm>>
        tpu.wait_indirect_dma semaphore(%run_scoped3A : memref<!tpu.dma_semaphore, #tpu.memory_space<semaphore_mem>>) src(%dma_wait3A_75 : memref<10000x128xf32, #tpu.memory_space<hbm>>) dst(%arg10 : memref<80x128xf32, #tpu.memory_space<vmem>>)
        tpu.yield
      }) : () -> ()
      "tpu.region"() ({
        %run_scoped3A = tpu.sem_alloc : memref<!tpu.dma_semaphore, #tpu.memory_space<semaphore_mem>>
        %dma_start3A = arith.constant 0 : i32
        %dma_start3A_72 = arith.constant 0 : i32
        %dma_start3A_73 = tpu.memref_slice %arg3[%dma_start3A, %dma_start3A_72] : memref<10000x128xf32, #tpu.memory_space<hbm>> -> memref<10000x128xf32, #tpu.memory_space<hbm>>
        tpu.enqueue_indirect_dma source(%dma_start3A_73 : memref<10000x128xf32, #tpu.memory_space<hbm>>) target(%arg11 : memref<80x128xf32, #tpu.memory_space<vmem>>) offsets(%arg8 : memref<80xi32, #tpu.memory_space<vmem>>) semaphore(%run_scoped3A : memref<!tpu.dma_semaphore, #tpu.memory_space<semaphore_mem>>)
        %dma_wait3A = arith.constant 0 : i32
        %dma_wait3A_74 = arith.constant 0 : i32
        %dma_wait3A_75 = tpu.memref_slice %arg3[%dma_wait3A, %dma_wait3A_74] : memref<10000x128xf32, #tpu.memory_space<hbm>> -> memref<10000x128xf32, #tpu.memory_space<hbm>>
        tpu.wait_indirect_dma semaphore(%run_scoped3A : memref<!tpu.dma_semaphore, #tpu.memory_space<semaphore_mem>>) src(%dma_wait3A_75 : memref<10000x128xf32, #tpu.memory_space<hbm>>) dst(%arg11 : memref<80x128xf32, #tpu.memory_space<vmem>>)
        tpu.yield
      }) : () -> ()
      %mul3A_68 = arith.constant 80 : i32
      %mul3A_69 = arith.muli %arg1, %mul3A_68 : i32
      "tpu.region"() ({
        %run_scoped3A = tpu.sem_alloc : memref<!tpu.dma_semaphore, #tpu.memory_space<semaphore_mem>>
        %dma_start3A = arith.constant 0 : i32
        %dma_start3A_72 = tpu.memref_slice %arg12[%mul3A_69, %dma_start3A] : memref<1280x128xf32, #tpu.memory_space<vmem_shared>> -> memref<80x128xf32, #tpu.memory_space<vmem_shared>>
        %dma_start3A_73 = arith.constant 0 : i32
        %dma_start3A_74 = tpu.memref_slice %arg12[%mul3A_69, %dma_start3A_73] : memref<1280x128xf32, #tpu.memory_space<vmem_shared>> -> memref<80x128xf32, #tpu.memory_space<vmem_shared>>
        tpu.enqueue_dma source(%arg10 : memref<80x128xf32, #tpu.memory_space<vmem>>) target(%dma_start3A_74 : memref<80x128xf32, #tpu.memory_space<vmem_shared>>) target_semaphore(%run_scoped3A : memref<!tpu.dma_semaphore, #tpu.memory_space<semaphore_mem>>)
        %dma_wait3A = arith.constant 0 : i32
        %dma_wait3A_75 = tpu.memref_slice %arg12[%mul3A_69, %dma_wait3A] : memref<1280x128xf32, #tpu.memory_space<vmem_shared>> -> memref<80x128xf32, #tpu.memory_space<vmem_shared>>
        %dma_wait3A_76 = arith.constant 0 : i32
        %dma_wait3A_77 = tpu.memref_slice %arg12[%mul3A_69, %dma_wait3A_76] : memref<1280x128xf32, #tpu.memory_space<vmem_shared>> -> memref<80x128xf32, #tpu.memory_space<vmem_shared>>
        tpu.wait_dma2 semaphore(%run_scoped3A : memref<!tpu.dma_semaphore, #tpu.memory_space<semaphore_mem>>) src(%arg10 : memref<80x128xf32, #tpu.memory_space<vmem>>) dst(%dma_wait3A_77 : memref<80x128xf32, #tpu.memory_space<vmem_shared>>)
        tpu.yield
      }) : () -> ()
      "tpu.region"() ({
        %run_scoped3A = tpu.sem_alloc : memref<!tpu.dma_semaphore, #tpu.memory_space<semaphore_mem>>
        %dma_start3A = arith.constant 0 : i32
        %dma_start3A_72 = arith.constant 0 : i32
        %dma_start3A_73 = tpu.memref_slice %arg12[%dma_start3A, %dma_start3A_72] : memref<1280x128xf32, #tpu.memory_space<vmem_shared>> -> memref<1280x128xf32, #tpu.memory_space<vmem_shared>>
        tpu.enqueue_indirect_dma source(%arg11 : memref<80x128xf32, #tpu.memory_space<vmem>>) target(%dma_start3A_73 : memref<1280x128xf32, #tpu.memory_space<vmem_shared>>) offsets(%arg9 : memref<80xi32, #tpu.memory_space<vmem>>) semaphore(%run_scoped3A : memref<!tpu.dma_semaphore, #tpu.memory_space<semaphore_mem>>) {add = true}
        %dma_wait3A = arith.constant 0 : i32
        %dma_wait3A_74 = arith.constant 0 : i32
        %dma_wait3A_75 = tpu.memref_slice %arg12[%dma_wait3A, %dma_wait3A_74] : memref<1280x128xf32, #tpu.memory_space<vmem_shared>> -> memref<1280x128xf32, #tpu.memory_space<vmem_shared>>
        tpu.wait_indirect_dma semaphore(%run_scoped3A : memref<!tpu.dma_semaphore, #tpu.memory_space<semaphore_mem>>) src(%arg11 : memref<80x128xf32, #tpu.memory_space<vmem>>) dst(%dma_wait3A_75 : memref<1280x128xf32, #tpu.memory_space<vmem_shared>>)
        tpu.yield
      }) : () -> ()
      %mul3A_70 = arith.constant 80 : i32
      %mul3A_71 = arith.muli %arg1, %mul3A_70 : i32
      "tpu.region"() ({
        %run_scoped3A = tpu.sem_alloc : memref<!tpu.dma_semaphore, #tpu.memory_space<semaphore_mem>>
        %dma_start3A = arith.constant 0 : i32
        %dma_start3A_72 = tpu.memref_slice %arg6[%add3A_67, %dma_start3A] : memref<320000x128xf32, #tpu.memory_space<hbm>> -> memref<80x128xf32, #tpu.memory_space<hbm>>
        %dma_start3A_73 = arith.constant 0 : i32
        %dma_start3A_74 = tpu.memref_slice %arg12[%mul3A_71, %dma_start3A_73] : memref<1280x128xf32, #tpu.memory_space<vmem_shared>> -> memref<80x128xf32, #tpu.memory_space<vmem_shared>>
        tpu.enqueue_dma source(%dma_start3A_74 : memref<80x128xf32, #tpu.memory_space<vmem_shared>>) target(%dma_start3A_72 : memref<80x128xf32, #tpu.memory_space<hbm>>) target_semaphore(%run_scoped3A : memref<!tpu.dma_semaphore, #tpu.memory_space<semaphore_mem>>)
        %dma_wait3A = arith.constant 0 : i32
        %dma_wait3A_75 = tpu.memref_slice %arg6[%add3A_67, %dma_wait3A] : memref<320000x128xf32, #tpu.memory_space<hbm>> -> memref<80x128xf32, #tpu.memory_space<hbm>>
        %dma_wait3A_76 = arith.constant 0 : i32
        %dma_wait3A_77 = tpu.memref_slice %arg12[%mul3A_71, %dma_wait3A_76] : memref<1280x128xf32, #tpu.memory_space<vmem_shared>> -> memref<80x128xf32, #tpu.memory_space<vmem_shared>>
        tpu.wait_dma2 semaphore(%run_scoped3A : memref<!tpu.dma_semaphore, #tpu.memory_space<semaphore_mem>>) src(%dma_wait3A_77 : memref<80x128xf32, #tpu.memory_space<vmem_shared>>) dst(%dma_wait3A_75 : memref<80x128xf32, #tpu.memory_space<hbm>>)
        tpu.yield
      }) : () -> ()
    }
    %scan3A_59 = arith.constant 125 : i32
    return
  }
}

module attributes {stable_mosaic.version = 14 : i64} {
  func.func @body(%arg0: i32, %arg1: memref<2x1000x16xf32, #tpu.memory_space<vmem>>, %arg2: memref<1000x128xf32, #tpu.memory_space<vmem>>, %arg3: memref<128x128xf32, #tpu.memory_space<vmem>>, %arg4: memref<1000x128xf32, #tpu.memory_space<vmem>>, %arg5: memref<1000x1xf32, #tpu.memory_space<vmem>>) attributes {dimension_semantics = [#tpu.dimension_semantics<arbitrary>], iteration_bounds = array<i64: 10>, scalar_prefetch = 0 : i64, scratch_operands = 0 : i64, tpu.core_type = #tpu.core_type<tc>, window_params = [{transform_indices = @transform_0, window_bounds = array<i64: 2, 1000, 16>}, {transform_indices = @transform_1, window_bounds = array<i64: 1000, 128>}, {pipeline_mode = #tpu.pipeline_mode<synchronous>, transform_indices = @transform_2, window_bounds = array<i64: 128, 128>}, {transform_indices = @transform_3, window_bounds = array<i64: 1000, 128>}, {transform_indices = @transform_4, window_bounds = array<i64: 1000, 1>}]} {
    %get3A = arith.constant 0 : index
    %get3A_0 = arith.constant 0 : index
    %get3A_1 = arith.constant 0 : index
    %get3A_2 = vector.load %arg1[%get3A, %get3A_0, %get3A_1] : memref<2x1000x16xf32, #tpu.memory_space<vmem>>, vector<2x1000x16xf32>
    %slice3A = vector.extract_strided_slice %get3A_2 {offsets = [0, 0, 0], sizes = [1, 1000, 1], strides = [1, 1, 1]} : vector<2x1000x16xf32> to vector<1x1000x1xf32>
    %squeeze3A = vector.shape_cast %slice3A : vector<1x1000x1xf32> to vector<1000x1xf32>
    %slice3A_3 = vector.extract_strided_slice %get3A_2 {offsets = [1, 0, 0], sizes = [1, 1000, 1], strides = [1, 1, 1]} : vector<2x1000x16xf32> to vector<1x1000x1xf32>
    %squeeze3A_4 = vector.shape_cast %slice3A_3 : vector<1x1000x1xf32> to vector<1000x1xf32>
    %add3A = arith.addf %squeeze3A, %squeeze3A_4 : vector<1000x1xf32>
    %add3A_5 = arith.constant 1.000000e+00 : f32
    %add3A_6 = vector.broadcast %add3A_5 : f32 to vector<1000x1xf32>
    %add3A_7 = arith.addf %add3A, %add3A_6 : vector<1000x1xf32>
    %rsqrt3A = math.rsqrt %add3A_7 : vector<1000x1xf32>
    %swap3A = arith.constant 0 : index
    %swap3A_8 = arith.constant 0 : index
    %swap3A_9 = vector.load %arg5[%swap3A, %swap3A_8] : memref<1000x1xf32, #tpu.memory_space<vmem>>, vector<1000x1xf32>
    tpu.vector_store %arg5[%swap3A, %swap3A_8], %rsqrt3A {strides = array<i32>} : memref<1000x1xf32, #tpu.memory_space<vmem>>, vector<1000x1xf32>,
    %get3A_10 = arith.constant 0 : index
    %get3A_11 = arith.constant 0 : index
    %get3A_12 = vector.load %arg2[%get3A_10, %get3A_11] : memref<1000x128xf32, #tpu.memory_space<vmem>>, vector<1000x128xf32>
    %get3A_13 = arith.constant 0 : index
    %get3A_14 = arith.constant 0 : index
    %get3A_15 = vector.load %arg3[%get3A_13, %get3A_14] : memref<128x128xf32, #tpu.memory_space<vmem>>, vector<128x128xf32>
    %dot_general3A = arith.constant dense<0.000000e+00> : vector<1000x128xf32>
    %dot_general3A_16 = tpu.matmul %get3A_12, %get3A_15, %dot_general3A {dimension_numbers = #tpu.dot_dimension_numbers<[1], [0], [0], [1], [0, 0, 1, 1], [], []>, transpose_lhs_hint = false} : vector<1000x128xf32>, vector<128x128xf32>, vector<1000x128xf32> -> vector<1000x128xf32>
    %mul3A = vector.broadcast %rsqrt3A : vector<1000x1xf32> to vector<1000x128xf32>
    %mul3A_17 = arith.mulf %dot_general3A_16, %mul3A : vector<1000x128xf32>
    %swap3A_18 = arith.constant 0 : index
    %swap3A_19 = arith.constant 0 : index
    %swap3A_20 = vector.load %arg4[%swap3A_18, %swap3A_19] : memref<1000x128xf32, #tpu.memory_space<vmem>>, vector<1000x128xf32>
    tpu.vector_store %arg4[%swap3A_18, %swap3A_19], %mul3A_17 {strides = array<i32>} : memref<1000x128xf32, #tpu.memory_space<vmem>>, vector<1000x128xf32>,
    return
  }
  func.func @transform_0(%arg0: i32) -> (i32, i32, i32) {
    %c0_i32 = arith.constant 0 : i32
    %c0_i32_0 = arith.constant 0 : i32
    %c0_i32_1 = arith.constant 0 : i32
    return %c0_i32, %arg0, %c0_i32_0 : i32, i32, i32
  }
  func.func @transform_1(%arg0: i32) -> (i32, i32) {
    %c0_i32 = arith.constant 0 : i32
    %c0_i32_0 = arith.constant 0 : i32
    return %arg0, %c0_i32 : i32, i32
  }
  func.func @transform_2(%arg0: i32) -> (i32, i32) {
    %c0_i32 = arith.constant 0 : i32
    %c0_i32_0 = arith.constant 0 : i32
    %c0_i32_1 = arith.constant 0 : i32
    return %c0_i32, %c0_i32_0 : i32, i32
  }
  func.func @transform_3(%arg0: i32) -> (i32, i32) {
    %c0_i32 = arith.constant 0 : i32
    %c0_i32_0 = arith.constant 0 : i32
    return %arg0, %c0_i32 : i32, i32
  }
  func.func @transform_4(%arg0: i32) -> (i32, i32) {
    %c0_i32 = arith.constant 0 : i32
    %c0_i32_0 = arith.constant 0 : i32
    return %arg0, %c0_i32 : i32, i32
  }
}

module attributes {stable_mosaic.version = 14 : i64} {
  func.func @body(%arg0: i32, %arg1: memref<2x1000x128xf32, #tpu.memory_space<vmem>>, %arg2: memref<1000x128xf32, #tpu.memory_space<vmem>>, %arg3: memref<1000x1xf32, #tpu.memory_space<vmem>>, %arg4: memref<128x128xf32, #tpu.memory_space<vmem>>, %arg5: memref<1x128xf32, #tpu.memory_space<vmem>>, %arg6: memref<1000x128xf32, #tpu.memory_space<vmem>>) attributes {dimension_semantics = [#tpu.dimension_semantics<arbitrary>], iteration_bounds = array<i64: 10>, scalar_prefetch = 0 : i64, scratch_operands = 0 : i64, tpu.core_type = #tpu.core_type<tc>, window_params = [{transform_indices = @transform_0, window_bounds = array<i64: 2, 1000, 128>}, {transform_indices = @transform_1, window_bounds = array<i64: 1000, 128>}, {transform_indices = @transform_2, window_bounds = array<i64: 1000, 1>}, {pipeline_mode = #tpu.pipeline_mode<synchronous>, transform_indices = @transform_3, window_bounds = array<i64: 128, 128>}, {pipeline_mode = #tpu.pipeline_mode<synchronous>, transform_indices = @transform_4, window_bounds = array<i64: 1, 128>}, {transform_indices = @transform_5, window_bounds = array<i64: 1000, 128>}]} {
    %get3A = arith.constant 0 : index
    %get3A_0 = arith.constant 0 : index
    %get3A_1 = arith.constant 0 : index
    %get3A_2 = vector.load %arg1[%get3A, %get3A_0, %get3A_1] : memref<2x1000x128xf32, #tpu.memory_space<vmem>>, vector<2x1000x128xf32>
    %get3A_3 = arith.constant 0 : index
    %get3A_4 = arith.constant 0 : index
    %get3A_5 = vector.load %arg3[%get3A_3, %get3A_4] : memref<1000x1xf32, #tpu.memory_space<vmem>>, vector<1000x1xf32>
    %slice3A = vector.extract_strided_slice %get3A_2 {offsets = [0, 0, 0], sizes = [1, 1000, 128], strides = [1, 1, 1]} : vector<2x1000x128xf32> to vector<1x1000x128xf32>
    %squeeze3A = vector.shape_cast %slice3A : vector<1x1000x128xf32> to vector<1000x128xf32>
    %slice3A_6 = vector.extract_strided_slice %get3A_2 {offsets = [1, 0, 0], sizes = [1, 1000, 128], strides = [1, 1, 1]} : vector<2x1000x128xf32> to vector<1x1000x128xf32>
    %squeeze3A_7 = vector.shape_cast %slice3A_6 : vector<1x1000x128xf32> to vector<1000x128xf32>
    %add3A = arith.addf %squeeze3A, %squeeze3A_7 : vector<1000x128xf32>
    %get3A_8 = arith.constant 0 : index
    %get3A_9 = arith.constant 0 : index
    %get3A_10 = vector.load %arg2[%get3A_8, %get3A_9] : memref<1000x128xf32, #tpu.memory_space<vmem>>, vector<1000x128xf32>
    %add3A_11 = arith.addf %add3A, %get3A_10 : vector<1000x128xf32>
    %mul3A = vector.broadcast %get3A_5 : vector<1000x1xf32> to vector<1000x128xf32>
    %mul3A_12 = arith.mulf %mul3A, %add3A_11 : vector<1000x128xf32>
    %get3A_13 = arith.constant 0 : index
    %get3A_14 = arith.constant 0 : index
    %get3A_15 = vector.load %arg5[%get3A_13, %get3A_14] : memref<1x128xf32, #tpu.memory_space<vmem>>, vector<1x128xf32>
    %add3A_16 = vector.broadcast %get3A_15 : vector<1x128xf32> to vector<1000x128xf32>
    %add3A_17 = arith.addf %mul3A_12, %add3A_16 : vector<1000x128xf32>
    %max3A = arith.constant 0.000000e+00 : f32
    %max3A_18 = vector.broadcast %max3A : f32 to vector<1000x128xf32>
    %max3A_19 = arith.maximumf %add3A_17, %max3A_18 : vector<1000x128xf32>
    %get3A_20 = arith.constant 0 : index
    %get3A_21 = arith.constant 0 : index
    %get3A_22 = vector.load %arg4[%get3A_20, %get3A_21] : memref<128x128xf32, #tpu.memory_space<vmem>>, vector<128x128xf32>
    %dot_general3A = arith.constant dense<0.000000e+00> : vector<1000x128xf32>
    %dot_general3A_23 = tpu.matmul %max3A_19, %get3A_22, %dot_general3A {dimension_numbers = #tpu.dot_dimension_numbers<[1], [0], [0], [1], [0, 0, 1, 1], [], []>, transpose_lhs_hint = false} : vector<1000x128xf32>, vector<128x128xf32>, vector<1000x128xf32> -> vector<1000x128xf32>
    %mul3A_24 = vector.broadcast %get3A_5 : vector<1000x1xf32> to vector<1000x128xf32>
    %mul3A_25 = arith.mulf %dot_general3A_23, %mul3A_24 : vector<1000x128xf32>
    %swap3A = arith.constant 0 : index
    %swap3A_26 = arith.constant 0 : index
    %swap3A_27 = vector.load %arg6[%swap3A, %swap3A_26] : memref<1000x128xf32, #tpu.memory_space<vmem>>, vector<1000x128xf32>
    tpu.vector_store %arg6[%swap3A, %swap3A_26], %mul3A_25 {strides = array<i32>} : memref<1000x128xf32, #tpu.memory_space<vmem>>, vector<1000x128xf32>,
    return
  }
  func.func @transform_0(%arg0: i32) -> (i32, i32, i32) {
    %c0_i32 = arith.constant 0 : i32
    %c0_i32_0 = arith.constant 0 : i32
    %c0_i32_1 = arith.constant 0 : i32
    return %c0_i32, %arg0, %c0_i32_0 : i32, i32, i32
  }
  func.func @transform_1(%arg0: i32) -> (i32, i32) {
    %c0_i32 = arith.constant 0 : i32
    %c0_i32_0 = arith.constant 0 : i32
    return %arg0, %c0_i32 : i32, i32
  }
  func.func @transform_2(%arg0: i32) -> (i32, i32) {
    %c0_i32 = arith.constant 0 : i32
    %c0_i32_0 = arith.constant 0 : i32
    return %arg0, %c0_i32 : i32, i32
  }
  func.func @transform_3(%arg0: i32) -> (i32, i32) {
    %c0_i32 = arith.constant 0 : i32
    %c0_i32_0 = arith.constant 0 : i32
    %c0_i32_1 = arith.constant 0 : i32
    return %c0_i32, %c0_i32_0 : i32, i32
  }
  func.func @transform_4(%arg0: i32) -> (i32, i32) {
    %c0_i32 = arith.constant 0 : i32
    %c0_i32_0 = arith.constant 0 : i32
    %c0_i32_1 = arith.constant 0 : i32
    return %c0_i32, %c0_i32_0 : i32, i32
  }
  func.func @transform_5(%arg0: i32) -> (i32, i32) {
    %c0_i32 = arith.constant 0 : i32
    %c0_i32_0 = arith.constant 0 : i32
    return %arg0, %c0_i32 : i32, i32
  }
}

module attributes {stable_mosaic.version = 14 : i64} {
  func.func @body(%arg0: i32, %arg1: memref<2x1000x128xf32, #tpu.memory_space<vmem>>, %arg2: memref<1000x128xf32, #tpu.memory_space<vmem>>, %arg3: memref<1000x1xf32, #tpu.memory_space<vmem>>, %arg4: memref<128x128xf32, #tpu.memory_space<vmem>>, %arg5: memref<128x128xf32, #tpu.memory_space<vmem>>, %arg6: memref<1x128xf32, #tpu.memory_space<vmem>>, %arg7: memref<1000x128xf32, #tpu.memory_space<vmem>>, %arg8: memref<1000x128xf32, #tpu.memory_space<vmem>>) attributes {dimension_semantics = [#tpu.dimension_semantics<arbitrary>], iteration_bounds = array<i64: 10>, scalar_prefetch = 0 : i64, scratch_operands = 0 : i64, tpu.core_type = #tpu.core_type<tc>, window_params = [{transform_indices = @transform_0, window_bounds = array<i64: 2, 1000, 128>}, {transform_indices = @transform_1, window_bounds = array<i64: 1000, 128>}, {transform_indices = @transform_2, window_bounds = array<i64: 1000, 1>}, {pipeline_mode = #tpu.pipeline_mode<synchronous>, transform_indices = @transform_3, window_bounds = array<i64: 128, 128>}, {pipeline_mode = #tpu.pipeline_mode<synchronous>, transform_indices = @transform_4, window_bounds = array<i64: 128, 128>}, {pipeline_mode = #tpu.pipeline_mode<synchronous>, transform_indices = @transform_5, window_bounds = array<i64: 1, 128>}, {transform_indices = @transform_6, window_bounds = array<i64: 1000, 128>}, {transform_indices = @transform_7, window_bounds = array<i64: 1000, 128>}]} {
    %get3A = arith.constant 0 : index
    %get3A_0 = arith.constant 0 : index
    %get3A_1 = arith.constant 0 : index
    %get3A_2 = vector.load %arg1[%get3A, %get3A_0, %get3A_1] : memref<2x1000x128xf32, #tpu.memory_space<vmem>>, vector<2x1000x128xf32>
    %get3A_3 = arith.constant 0 : index
    %get3A_4 = arith.constant 0 : index
    %get3A_5 = vector.load %arg3[%get3A_3, %get3A_4] : memref<1000x1xf32, #tpu.memory_space<vmem>>, vector<1000x1xf32>
    %slice3A = vector.extract_strided_slice %get3A_2 {offsets = [0, 0, 0], sizes = [1, 1000, 128], strides = [1, 1, 1]} : vector<2x1000x128xf32> to vector<1x1000x128xf32>
    %squeeze3A = vector.shape_cast %slice3A : vector<1x1000x128xf32> to vector<1000x128xf32>
    %slice3A_6 = vector.extract_strided_slice %get3A_2 {offsets = [1, 0, 0], sizes = [1, 1000, 128], strides = [1, 1, 1]} : vector<2x1000x128xf32> to vector<1x1000x128xf32>
    %squeeze3A_7 = vector.shape_cast %slice3A_6 : vector<1x1000x128xf32> to vector<1000x128xf32>
    %add3A = arith.addf %squeeze3A, %squeeze3A_7 : vector<1000x128xf32>
    %get3A_8 = arith.constant 0 : index
    %get3A_9 = arith.constant 0 : index
    %get3A_10 = vector.load %arg2[%get3A_8, %get3A_9] : memref<1000x128xf32, #tpu.memory_space<vmem>>, vector<1000x128xf32>
    %add3A_11 = arith.addf %add3A, %get3A_10 : vector<1000x128xf32>
    %mul3A = vector.broadcast %get3A_5 : vector<1000x1xf32> to vector<1000x128xf32>
    %mul3A_12 = arith.mulf %mul3A, %add3A_11 : vector<1000x128xf32>
    %get3A_13 = arith.constant 0 : index
    %get3A_14 = arith.constant 0 : index
    %get3A_15 = vector.load %arg6[%get3A_13, %get3A_14] : memref<1x128xf32, #tpu.memory_space<vmem>>, vector<1x128xf32>
    %add3A_16 = vector.broadcast %get3A_15 : vector<1x128xf32> to vector<1000x128xf32>
    %add3A_17 = arith.addf %mul3A_12, %add3A_16 : vector<1000x128xf32>
    %max3A = arith.constant 0.000000e+00 : f32
    %max3A_18 = vector.broadcast %max3A : f32 to vector<1000x128xf32>
    %max3A_19 = arith.maximumf %add3A_17, %max3A_18 : vector<1000x128xf32>
    %get3A_20 = arith.constant 0 : index
    %get3A_21 = arith.constant 0 : index
    %get3A_22 = vector.load %arg4[%get3A_20, %get3A_21] : memref<128x128xf32, #tpu.memory_space<vmem>>, vector<128x128xf32>
    %dot_general3A = arith.constant dense<0.000000e+00> : vector<1000x128xf32>
    %dot_general3A_23 = tpu.matmul %max3A_19, %get3A_22, %dot_general3A {dimension_numbers = #tpu.dot_dimension_numbers<[1], [0], [0], [1], [0, 0, 1, 1], [], []>, transpose_lhs_hint = false} : vector<1000x128xf32>, vector<128x128xf32>, vector<1000x128xf32> -> vector<1000x128xf32>
    %swap3A = arith.constant 0 : index
    %swap3A_24 = arith.constant 0 : index
    %swap3A_25 = vector.load %arg7[%swap3A, %swap3A_24] : memref<1000x128xf32, #tpu.memory_space<vmem>>, vector<1000x128xf32>
    tpu.vector_store %arg7[%swap3A, %swap3A_24], %dot_general3A_23 {strides = array<i32>} : memref<1000x128xf32, #tpu.memory_space<vmem>>, vector<1000x128xf32>,
    %get3A_26 = arith.constant 0 : index
    %get3A_27 = arith.constant 0 : index
    %get3A_28 = vector.load %arg5[%get3A_26, %get3A_27] : memref<128x128xf32, #tpu.memory_space<vmem>>, vector<128x128xf32>
    %dot_general3A_29 = arith.constant dense<0.000000e+00> : vector<1000x128xf32>
    %dot_general3A_30 = tpu.matmul %max3A_19, %get3A_28, %dot_general3A_29 {dimension_numbers = #tpu.dot_dimension_numbers<[1], [0], [0], [1], [0, 0, 1, 1], [], []>, transpose_lhs_hint = false} : vector<1000x128xf32>, vector<128x128xf32>, vector<1000x128xf32> -> vector<1000x128xf32>
    %swap3A_31 = arith.constant 0 : index
    %swap3A_32 = arith.constant 0 : index
    %swap3A_33 = vector.load %arg8[%swap3A_31, %swap3A_32] : memref<1000x128xf32, #tpu.memory_space<vmem>>, vector<1000x128xf32>
    tpu.vector_store %arg8[%swap3A_31, %swap3A_32], %dot_general3A_30 {strides = array<i32>} : memref<1000x128xf32, #tpu.memory_space<vmem>>, vector<1000x128xf32>,
    return
  }
  func.func @transform_0(%arg0: i32) -> (i32, i32, i32) {
    %c0_i32 = arith.constant 0 : i32
    %c0_i32_0 = arith.constant 0 : i32
    %c0_i32_1 = arith.constant 0 : i32
    return %c0_i32, %arg0, %c0_i32_0 : i32, i32, i32
  }
  func.func @transform_1(%arg0: i32) -> (i32, i32) {
    %c0_i32 = arith.constant 0 : i32
    %c0_i32_0 = arith.constant 0 : i32
    return %arg0, %c0_i32 : i32, i32
  }
  func.func @transform_2(%arg0: i32) -> (i32, i32) {
    %c0_i32 = arith.constant 0 : i32
    %c0_i32_0 = arith.constant 0 : i32
    return %arg0, %c0_i32 : i32, i32
  }
  func.func @transform_3(%arg0: i32) -> (i32, i32) {
    %c0_i32 = arith.constant 0 : i32
    %c0_i32_0 = arith.constant 0 : i32
    %c0_i32_1 = arith.constant 0 : i32
    return %c0_i32, %c0_i32_0 : i32, i32
  }
  func.func @transform_4(%arg0: i32) -> (i32, i32) {
    %c0_i32 = arith.constant 0 : i32
    %c0_i32_0 = arith.constant 0 : i32
    %c0_i32_1 = arith.constant 0 : i32
    return %c0_i32, %c0_i32_0 : i32, i32
  }
  func.func @transform_5(%arg0: i32) -> (i32, i32) {
    %c0_i32 = arith.constant 0 : i32
    %c0_i32_0 = arith.constant 0 : i32
    %c0_i32_1 = arith.constant 0 : i32
    return %c0_i32, %c0_i32_0 : i32, i32
  }
  func.func @transform_6(%arg0: i32) -> (i32, i32) {
    %c0_i32 = arith.constant 0 : i32
    %c0_i32_0 = arith.constant 0 : i32
    return %arg0, %c0_i32 : i32, i32
  }
  func.func @transform_7(%arg0: i32) -> (i32, i32) {
    %c0_i32 = arith.constant 0 : i32
    %c0_i32_0 = arith.constant 0 : i32
    return %arg0, %c0_i32 : i32, i32
  }
}

module attributes {stable_mosaic.version = 14 : i64} {
  func.func @body(%arg0: i32, %arg1: memref<2048x128xf32, #tpu.memory_space<vmem>>, %arg2: memref<16x2048xf32, #tpu.memory_space<vmem>>, %arg3: memref<64x16xf32, #tpu.memory_space<vmem>>, %arg4: memref<64x1xf32, #tpu.memory_space<vmem>>, %arg5: memref<64x2048xf32, #tpu.memory_space<vmem>>) attributes {dimension_semantics = [#tpu.dimension_semantics<arbitrary>], iteration_bounds = array<i64: 157>, scalar_prefetch = 0 : i64, scratch_operands = 0 : i64, tpu.core_type = #tpu.core_type<tc>, window_params = [{transform_indices = @transform_0, window_bounds = array<i64: 2048, 128>}, {transform_indices = @transform_1, window_bounds = array<i64: 16, 2048>}, {pipeline_mode = #tpu.pipeline_mode<synchronous>, transform_indices = @transform_2, window_bounds = array<i64: 64, 16>}, {pipeline_mode = #tpu.pipeline_mode<synchronous>, transform_indices = @transform_3, window_bounds = array<i64: 64, 1>}, {transform_indices = @transform_4, window_bounds = array<i64: 64, 2048>}]} {
    %get3A = arith.constant 0 : index
    %get3A_0 = arith.constant 0 : index
    %get3A_1 = vector.load %arg1[%get3A, %get3A_0] : memref<2048x128xf32, #tpu.memory_space<vmem>>, vector<2048x64xf32>
    %transpose3A = tpu.transpose %get3A_1, [1, 0] : vector<2048x64xf32> -> vector<64x2048xf32>
    %get3A_2 = arith.constant 0 : index
    %get3A_3 = arith.constant 0 : index
    %get3A_4 = vector.load %arg3[%get3A_2, %get3A_3] : memref<64x16xf32, #tpu.memory_space<vmem>>, vector<64x16xf32>
    %get3A_5 = arith.constant 0 : index
    %get3A_6 = arith.constant 0 : index
    %get3A_7 = vector.load %arg2[%get3A_5, %get3A_6] : memref<16x2048xf32, #tpu.memory_space<vmem>>, vector<16x2048xf32>
    %dot_general3A = arith.constant dense<0.000000e+00> : vector<64x2048xf32>
    %dot_general3A_8 = tpu.matmul %get3A_4, %get3A_7, %dot_general3A {dimension_numbers = #tpu.dot_dimension_numbers<[1], [0], [0], [1], [0, 0, 1, 1], [], []>, transpose_lhs_hint = false} : vector<64x16xf32>, vector<16x2048xf32>, vector<64x2048xf32> -> vector<64x2048xf32>
    %add3A = arith.addf %transpose3A, %dot_general3A_8 : vector<64x2048xf32>
    %get3A_9 = arith.constant 0 : index
    %get3A_10 = arith.constant 0 : index
    %get3A_11 = vector.load %arg4[%get3A_9, %get3A_10] : memref<64x1xf32, #tpu.memory_space<vmem>>, vector<64x1xf32>
    %add3A_12 = vector.broadcast %get3A_11 : vector<64x1xf32> to vector<64x2048xf32>
    %add3A_13 = arith.addf %add3A, %add3A_12 : vector<64x2048xf32>
    %swap3A = arith.constant 0 : index
    %swap3A_14 = arith.constant 0 : index
    %swap3A_15 = vector.load %arg5[%swap3A, %swap3A_14] : memref<64x2048xf32, #tpu.memory_space<vmem>>, vector<64x2048xf32>
    tpu.vector_store %arg5[%swap3A, %swap3A_14], %add3A_13 {strides = array<i32>} : memref<64x2048xf32, #tpu.memory_space<vmem>>, vector<64x2048xf32>,
    return
  }
  func.func @transform_0(%arg0: i32) -> (i32, i32) {
    %c0_i32 = arith.constant 0 : i32
    %c0_i32_0 = arith.constant 0 : i32
    return %arg0, %c0_i32 : i32, i32
  }
  func.func @transform_1(%arg0: i32) -> (i32, i32) {
    %c0_i32 = arith.constant 0 : i32
    %c0_i32_0 = arith.constant 0 : i32
    return %c0_i32, %arg0 : i32, i32
  }
  func.func @transform_2(%arg0: i32) -> (i32, i32) {
    %c0_i32 = arith.constant 0 : i32
    %c0_i32_0 = arith.constant 0 : i32
    %c0_i32_1 = arith.constant 0 : i32
    return %c0_i32, %c0_i32_0 : i32, i32
  }
  func.func @transform_3(%arg0: i32) -> (i32, i32) {
    %c0_i32 = arith.constant 0 : i32
    %c0_i32_0 = arith.constant 0 : i32
    %c0_i32_1 = arith.constant 0 : i32
    return %c0_i32, %c0_i32_0 : i32, i32
  }
  func.func @transform_4(%arg0: i32) -> (i32, i32) {
    %c0_i32 = arith.constant 0 : i32
    %c0_i32_0 = arith.constant 0 : i32
    return %c0_i32, %arg0 : i32, i32
  }
}

</mosaic_0001>

<sc_bundles>
// kernel: kernel.10.cloned.1.call-start
scs
__scs_entry_jumppad:
0x0: {  	(pc) =	sbr.rel $0x88, $3  }
0x1: {  	(tag) =	ssettag $0x0;
	lr =	simm.s32 $0x1  }
0x2: {  	[smem:$0x3F98] =	sst lr;
	_ =	strace $0xD0000000  }
0x3: {  	_ = 	snop  }
0x4: {  	_ = 	snop  }
0x5: {  	_ = 	snop  }
0x6: {  	_ = 	snop  }
0x7: {  	_ = 	snop  }
__scs_overlays_trampoline_lowered:
0x8: {  	[smem:$0x3FA7] =	sst s0  }
0x9: {  	[smem:$0x3FA8] =	sst s1  }
0xa: {  	[smem:$0x3FA9] =	sst s2  }
0xb: {  	[smem:$0x3FAA] =	sst s3  }
0xc: {  	[smem:$0x3FAB] =	sst s4  }
0xd: {  	[smem:$0x3FAC] =	sst s5  }
0xe: {  	[smem:$0x3FAD] =	sst s6  }
0xf: {  	[smem:$0x3FAE] =	sst s7  }
0x10: {  	[smem:$0x3FAF] =	sst s8  }
0x11: {  	[smem:$0x3FB0] =	sst s9;
	s0 =	simm.s32 @!p0 $0x0  }
0x12: {  	s1 =	sld [smem:$0x3F96];
	s0 =	simm.s32 @p0 $0x1  }
0x13: {  	[smem:$0x3FB1] =	sst s0;
	s0 =	simm.s32 @!p1 $0x0  }
0x14: {  	s2 =	sld [smem:$0x3F95];
	s0 =	simm.s32 @p1 $0x1  }
0x15: {  	[smem:$0x3FB2] =	sst s0;
	s0 =	simm.s32 @!p2 $0x0  }
0x16: {  	s3 =	sld [smem:$0x3FDB];
	s0 =	simm.s32 @p2 $0x1  }
0x17: {  	s4 =	simm.s32 $0x1BF5;
	[smem:$0x3FB4] =	sst s0  }
0x18: {  	s0 =	sld [smem:$0x3F97];
	_ =	swait.ge [sflag:s4], $0x0  }
0x19: {  	s7 =	sld [smem:$0x3F98]  }
0x1a: {  	s8 =	sadd.s32 $0xFFFFE003, lr  }
0x1b: {  	s9 =	sadd.s32 $0xFFFFFEF7, lr;
	s5 =	simm.s32 $0xFFFFFFFF;
	p2 =	slt.u32 s8, $0xFFFFF086  }
0x1c: {  	p1 =	slt.u32 s9, $0xF7A;
	s5 =	simm.s32 @!p2 $0x0  }
0x1d: {  	s5 =	simm.s32 @p1 $0x1;
	p0 =	seq.s32 s7, s2  }
0x1e: {  	s7 =	smul.u32 @!p0 $0xF7A, s2;
	p2 =	seq.s32 @!p0 s5, $0x0  }
0x1f: {  	s9 =	smul.u32 $0xF7A, s1;
	s8 =	simm.s32 @!p0 $0x1BF5;
	p2 =	por !p2, p0  }
0x20: {  	[sflag:s8] =	ssyncset.s32 @!p0 $0xFFFFF086;
	s6 =	sadd.s32 @!p0 s3, s7;
	s7 =	simm.s32 @!p0 $0x108  }
0x21: {  	s3 =	sadd.s32 s3, s9;
	s6 =	sadd.s32 @!p0 $0x88, s6;
	s7 =	simm.s32 @p2 $0x1082  }
0x22: {  	[simem:s7], [sflag:s8] =	dma.local @!p0 [hbm:s6], $0xF7A  }
0x23: {  	s9 =	sor.u32 $0xD0000000, s2;
	s6 =	simm.s32 $0x108;
	_ =	swait.ge @!p0 [sflag:s8], $0x0  }
0x24: {  	s3 =	sadd.s32 $0x88, s3;
	s6 =	simm.s32 @!p1 $0x1082;
	[sflag:s4] =	ssyncset.s32 $0xFFFFF086  }
0x25: {  	[simem:s6], [sflag:s4] =	dma.local [hbm:s3], $0xF7A  }
0x26: {  	[smem:$0x3F98] =	sst s1;
	(tag) =	ssettag s2;
	_ =	strace s9  }
0x27: {  	s1 =	sld [smem:$0x3FA8]  }
0x28: {  	s2 =	sld [smem:$0x3FA9]  }
0x29: {  	s4 =	sld [smem:$0x3FAB]  }
0x2a: {  	p0 =	seq.s32 s5, $0x0;
	s5 =	sld [smem:$0x3FAC]  }
0x2b: {  	s6 =	sld [smem:$0x3FAD]  }
0x2c: {  	s7 =	sld [smem:$0x3FAE]  }
0x2d: {  	s3 =	simm.s32 $0x108;
	s8 =	sld [smem:$0x3FAF]  }
0x2e: {  	s3 =	simm.s32 @!p0 $0x1082;
	s9 =	sld [smem:$0x3FB0]  }
0x2f: {  	lr =	sadd.s32 s0, s3;
	s0 =	sld [smem:$0x3FA7]  }
0x30: {  	s3 =	sld [smem:$0x3FAA]  }
0x31: {  	[smem:$0x3FB3] =	sst s10  }
0x32: {  	s10 =	sld [smem:$0x3FB1];
	_ =	sdelay $0x3  }
0x33: {  	p0 =	seq.s32 s10, $0x1;
	s10 =	sld [smem:$0x3FB3];
	_ =	sdelay $0x3  }
0x34: {  	[smem:$0x3FB3] =	sst s10  }
0x35: {  	s10 =	sld [smem:$0x3FB2];
	_ =	sdelay $0x3  }
0x36: {  	p1 =	seq.s32 s10, $0x1;
	s10 =	sld [smem:$0x3FB3];
	_ =	sdelay $0x3  }
0x37: {  	[smem:$0x3FB3] =	sst s10  }
0x38: {  	s10 =	sld [smem:$0x3FB4]  }
0x39: {  	_ = 	snop;
	(pc) =	sbr.ind lr, $3  }
0x3a: {  	_ = 	snop  }
0x3b: {  	_ = 	snop  }
0x3c: {  	p2 =	seq.s32 s10, $0x1;
	s10 =	sld [smem:$0x3FB3]  }
0x3d: {  	_ =	shalt  }
0x3e: {  	_ =	shalt  }
0x3f: {  	_ =	shalt  }
0x40: {  	_ =	shalt  }
0x41: {  	_ =	shalt  }
0x42: {  	_ =	shalt  }
0x43: {  	_ =	shalt  }
0x44: {  	_ =	shalt  }
0x45: {  	_ =	shalt  }
0x46: {  	_ =	shalt  }
0x47: {  	_ =	shalt  }
0x48: {  	_ =	shalt  }
0x49: {  	_ =	shalt  }
0x4a: {  	_ =	shalt  }
0x4b: {  	_ =	shalt  }
0x4c: {  	_ =	shalt  }
0x4d: {  	_ =	shalt  }
0x4e: {  	_ =	shalt  }
0x4f: {  	_ =	shalt  }
0x50: {  	_ =	shalt  }
0x51: {  	_ =	shalt  }
0x52: {  	_ =	shalt  }
0x53: {  	_ =	shalt  }
0x54: {  	_ =	shalt  }
0x55: {  	_ =	shalt  }
0x56: {  	_ =	shalt  }
0x57: {  	_ =	shalt  }
0x58: {  	_ =	shalt  }
0x59: {  	_ =	shalt  }
0x5a: {  	_ =	shalt  }
0x5b: {  	_ =	shalt  }
0x5c: {  	_ =	shalt  }
0x5d: {  	_ =	shalt  }
0x5e: {  	_ =	shalt  }
0x5f: {  	_ =	shalt  }
0x60: {  	_ =	shalt  }
0x61: {  	_ =	shalt  }
0x62: {  	_ =	shalt  }
0x63: {  	_ =	shalt  }
0x64: {  	_ =	shalt  }
0x65: {  	_ =	shalt  }
0x66: {  	_ =	shalt  }
0x67: {  	_ =	shalt  }
0x68: {  	_ =	shalt  }
0x69: {  	_ =	shalt  }
0x6a: {  	_ =	shalt  }
0x6b: {  	_ =	shalt  }
0x6c: {  	_ =	shalt  }
0x6d: {  	_ =	shalt  }
0x6e: {  	_ =	shalt  }
0x6f: {  	_ =	shalt  }
0x70: {  	_ =	shalt  }
0x71: {  	_ =	shalt  }
0x72: {  	_ =	shalt  }
0x73: {  	_ =	shalt  }
0x74: {  	_ =	shalt  }
0x75: {  	_ =	shalt  }
0x76: {  	_ =	shalt  }
0x77: {  	_ =	shalt  }
0x78: {  	_ =	shalt  }
0x79: {  	_ =	shalt  }
0x7a: {  	_ =	shalt  }
0x7b: {  	_ =	shalt  }
0x7c: {  	_ =	shalt  }
0x7d: {  	_ =	shalt  }
0x7e: {  	_ =	shalt  }
0x7f: {  	_ =	shalt  }
0x80: {  	_ =	shalt  }
0x81: {  	_ =	shalt  }
0x82: {  	_ =	shalt  }
0x83: {  	_ =	shalt  }
0x84: {  	_ =	shalt  }
0x85: {  	_ =	shalt  }
0x86: {  	_ =	shalt  }
0x87: {  	_ =	shalt  }
.Lfunc_end0:
.L_simem_size_0:
called_computation_lowered:
.L_overlay_start_0:
0x88: {  	s2 =	sld [smem:$0x3FD9]  }
0x89: {  	s3 =	sld [smem:$0x3FFE];
	_ =	sdelay $0x1  }
0x8a: {  	s1 =	srdreg.scid  }
0x8b: {  	s0 =	sand.u32 $0x1, s1  }
0x8c: {  	s17 =	sshll.u32 s0, $0xA;
	s2 =	sadd.s32 s3, s2  }
0x8d: {  	s2 =	sadd.s32 s2, s17  }
0x8e: {  	[smem:$0x3FBF] =	sst s2  }
0x8f: {  	_ = 	snop  }
0x90: {  	s2 =	sld [smem:$0x3FD0];
	(tm) =	ssettm $0x1  }
0x91: {  	s18 =	sld [smem:$0x3FFB];
	_ =	sdelay $0x3  }
0x92: {  	_ =	strace s18  }
0x93: {  	s3 =	sld [smem:$0x3FFC];
	_ =	sdelay $0x3  }
0x94: {  	_ =	strace s3  }
0x95: {  	s3 =	sld [smem:$0x3FFD];
	_ =	sdelay $0x3  }
0x96: {  	_ =	strace s3  }
0x97: {  	_ =	strace $0x8FFFFFFF  }
0x98: {  	s19 =	sld [smem:$0x3FDB];
	_ =	sdelay $0x1  }
0x99: {  	s4 =	simm.s32 $_scs_section_size  }
0x9a: {  	s5 =	simm.s32 $_size__tile_overlayer_lowered;
	s6 =	simm.s32 $_tile_overlayer_lowered  }
0x9b: {  	s22 =	simm.s32 $0x1BFF;
	s21 =	sshll.u32 s6, $0x1;
	s3 =	sadd.s32 s4, s19  }
0x9c: {  	s7 =	simm.s32 $0x0;
	s20 =	sshll.u32 s5, $0x1;
	s5 =	sadd.s32 s21, s3  }
0x9d: {  	[timem:s7], [sflag:s22] =	dma.local [hbm:s5], s20  }
0x9e: {  	_ =	swait.ge [sflag:s22], s20  }
0x9f: {  	s4 =	ssub.s32 $0x0, s20;
	[sflag:s22] =	ssyncset.done $0x0  }
0xa0: {  	[sflag:s22] =	ssyncadd.s32 s4;
	_ =	sdelay $0x1  }
0xa1: {  	s23 =	simm.s32 $0x1B8B  }
0xa2: {  	_ =	swait.ge [sflag:s23], $0x1  }
0xa3: {  	[sflag:s23] =	ssyncset.done $0x0  }
0xa4: {  	s25 =	simm.s32 $0x1B8E;
	s24 =	sld [smem:$0x3FFE];
	[sflag:s23] =	ssyncadd.s32 $0xFFFFFFFF  }
0xa5: {  	s26 =	simm.s32 $execute0_lowered;
	[smem:$0x3FD2] =	sst s25  }
0xa6: {  	s5 =	sshll.u32 s26, $0x1;
	_ =	strace $0x80000046;
	[dreg:$0x1] =	wrdreg $0xFFFFFFFF  }
0xa7: {  	s28 =	simm.s32 $_size_execute0_lowered;
	s3 =	sadd.s32 s3, s5;
	[dreg:$0x0] =	wrdreg $0x0  }
0xa8: {  	s5 =	sshll.u32 s28, $0x1;
	[dreg:$0x2] =	wrdreg s3  }
0xa9: {  	[dreg:$0x3] =	wrdreg s5  }
0xaa: {  	[dreg:$0x4] =	wrdreg $0xC0  }
0xab: {  	_ =	task [dreg:s7], $0x5FFFF  }
0xac: {  	[dreg:$0x1] =	wrdreg $0xFFFFFFFF  }
0xad: {  	[dreg:$0x0] =	wrdreg $0x60  }
0xae: {  	[dreg:$0x2] =	wrdreg s24  }
0xaf: {  	[dreg:$0x3] =	wrdreg s2  }
0xb0: {  	[dreg:$0x4] =	wrdreg $0x5500  }
0xb1: {  	[dreg:$0x5] =	wrdreg $0x9  }
0xb2: {  	_ =	task.clear_ibuf [dreg:s7], $0x6FFFF;
	_ =	strace $0x90000046  }
0xb3: {  	s29 =	simm.s32 $0x9;
	_ =	strace $0x80000048  }
0xb4: {  	_ =	swait.ge [sflag:s29], $0x1  }
0xb5: {  	[sflag:s29] =	ssyncadd.s32 $0xFFFFFFFF  }
0xb6: {  	_ =	strace $0x90000048  }
0xb7: {  	_ =	sfence  }
0xb8: {  	s30 =	sld [smem:$0x0];
	_ =	sdelay $0x2  }
0xb9: {  	s31 =	sshll.u32 s1, $0xD;
	s1 =	sshrl.u32 s1, $0x2  }
0xba: {  	s3 =	sand.u32 $0x4000, s31;
	s1 =	sadd.s32 s1, s30  }
0xbb: {  	s0 =	sor.u32 s3, s0;
	s1 =	sshll.u32 s1, $0x11  }
0xbc: {  	s0 =	sor.u32 s1, s0  }
0xbd: {  	s0 =	sadd.s32 $0x8F2B, s0  }
0xbe: {  	[sflag:s0] =	ssyncadd.remote.s32 $0x1  }
0xbf: {  	_ =	sfence.sel $0xFFFF  }
0xc0: {  	[dreg:$0x0] =	wrdreg $0xFFFFFFFF;
	(pc) =	sbr.abs _section_cstart, $3  }
0xc1: {  	[dreg:$0x1] =	wrdreg $0xFFFFFFFF  }
0xc2: {  	_ =	task.clear_ibuf [dreg:s7], $0x2FFFF;
	_ =	strace $0x9FFFFFFF  }
0xc3: {  	(tm) =	ssettm $0x7FFFFFFF  }
tec
execute0_lowered:
.L_overlay_start_1:
0x0: {  	(tag) =	ssettag $0x1  }
0x1: {  	s5 =	rddreg [dreg:$0x0]  }
0x2: {  	s0 =	srdreg.scid;
	s6 =	rddreg [dreg:$0x1]  }
0x3: {  	s2 =	rddreg [dreg:$0x2];
	s4 =	sand.u32 $0x1, s0  }
0x4: {  	s0 =	stileid.u32;
	s7 =	smul.u32 $0x27100, s4  }
0x5: {  	s1 =	rddreg [dreg:$0x3];
	s3 =	simm.s32 $0x0;
	s8 =	smul.u32 $0x2710, s0  }
0x6: {  	[smem:$0x7FF] =	sst s3;
	s26 =	smul.u32 $0x500, s0  }
0x7: {  	s13 =	simm.s32 $0x0;
	s9 =	smul.u32 $0x5000, s4;
	_ =	strace $0x80000047  }
0x8: {  	s28 =	ssub.s32 $0x2, s4;
	s11 =	smul.u32 $0x2800, s0;
	s4 =	sadd.s32 $0x16E00, s5  }
0x9: {  	s31 =	sshll.u32 s0, $0x6;
	s29 =	sshrl.u32 s28, $0x1;
	s7 =	sadd.s32 s8, s7  }
0xa: {  	s8 =	sadd.s32 s26, s9;
	s9 =	ssub.s32 s28, s29;
	s12 =	sadd.s32 s11, s2  }
0xb: {  	s30 =	sshrl.u32 s11, $0x3;
	s11 =	simm.s32 $0x1;
	s7 =	sshrl.u32 s7, $0x3  }
0xc: {  	s8 =	sadd.s32 s8, s5;
	s10 =	sadd.s32 s7, s5;
	s5 =	sadd.s32 s6, s30  }
0xd: {  	s6 =	sor.u32 $0x1C01, s31;
	s7 =	sadd.s32 $0x17000, s8;
	s8 =	smax.u32 s9, $0x1  }
0xe: {  	s9 =	sadd.s32 $0xD000, s10;
	s10 =	sshrl.u32 s12, $0x3;
	s12 =	simm.s32 $0x50  }
.LBB2_1:
0xf: {  	[spmem:s10], [sflag:s6] =	dma.local [hbm:s5], $0x500  }
0x10: {  	_ =	swait.ge [sflag:s11], $0x500  }
0x11: {  	[sflag:s11] =	ssyncset.done $0x0  }
0x12: {  	[sflag:s11] =	ssyncadd.s32 $0xFFFFFB00  }
0x13: {  	[tilespmem:s12], [sflag:$0x1] =	stream.linear.gather [hbm4b:s4+s3], $0x500, $0x38;
	[tilespmem:$0x2D50] =	vst v63  }
0x14: {  	_ =	swait.ge [sflag:s11], $0x500  }
0x15: {  	[sflag:s11] =	ssyncset.done $0x0  }
0x16: {  	[sflag:s11] =	ssyncadd.s32 $0xFFFFFB00  }
0x17: {  	s14 =	sadd.s32 $0x0, s9;
	[bflag:$0x0] =	sbarrier.arrive $0xFFFF  }
0x18: {  	[tilespmem:s3], [sflag:$0x1] =	stream.linear.gather [hbm4b:s14+s3], $0x50, $0x38;
	[tilespmem:$0x2D50] =	vst v63  }
0x19: {  	_ =	swait.ge [sflag:s11], $0x50  }
0x1a: {  	[sflag:s11] =	ssyncset.done $0x0  }
0x1b: {  	[sflag:s11] =	ssyncadd.s32 $0xFFFFFFB0  }
0x1c: {  	[spmem:s2] =	stream.indirect.scatter.add.f32 [tilespmem:s12], [sflag:$0x1], $0x10, s3, s12, $0xb8;
	[tilespmem:$0x2D50] =	vst v63  }
0x1d: {  	_ =	swait.ge [sflag:s11], $0x500  }
0x1e: {  	s15 =	simm.s32 $0x14;
	s14 =	simm.s32 $0xA;
	[sflag:s11] =	ssyncset.done $0x0  }
.LBB2_2:
0x1f: {  	s16 =	sadd.s32 s14, s9  }
0x20: {  	[sflag:s11] =	ssyncadd.s32 $0xFFFFFB00;
	s14 =	smov.u32 s15;
	s17 =	sadd.s32 $0xA, s15  }
0x21: {  	[tilespmem:s3], [sflag:$0x1] =	stream.linear.gather [hbm4b:s16+s3], $0x50, $0x38;
	[tilespmem:$0x2D50] =	vst v63  }
0x22: {  	p0 =	sne.s32 s15, $0x4D8;
	_ =	swait.ge [sflag:s11], $0x50  }
.Ltmp0:
0x23: {  	[sflag:s11] =	ssyncset.done $0x0;
	(pc) =	sbr.rel @p0 .LBB2_2-.Ltmp0, $4  }
0x24: {  	[sflag:s11] =	ssyncadd.s32 $0xFFFFFFB0  }
0x25: {  	[spmem:s2] =	stream.indirect.scatter.add.f32 [tilespmem:s12], [sflag:$0x1], $0x10, s3, s12, $0xb8;
	[tilespmem:$0x2D50] =	vst v63  }
0x26: {  	_ =	swait.ge [sflag:s11], $0x500  }
0x27: {  	s15 =	smov.u32 s17;
	[sflag:s11] =	ssyncset.done $0x0  }
0x28: {  	s14 =	sadd.s32 s14, s9;
	[sflag:s11] =	ssyncadd.s32 $0xFFFFFB00  }
0x29: {  	[tilespmem:s3], [sflag:$0x1] =	stream.linear.gather [hbm4b:s14+s3], $0x50, $0x38;
	[tilespmem:$0x2D50] =	vst v63  }
0x2a: {  	_ =	swait.ge [sflag:s11], $0x50  }
0x2b: {  	[sflag:s11] =	ssyncset.done $0x0  }
0x2c: {  	[sflag:s11] =	ssyncadd.s32 $0xFFFFFFB0  }
0x2d: {  	[spmem:s2] =	stream.indirect.scatter.add.f32 [tilespmem:s12], [sflag:$0x1], $0x10, s3, s12, $0xb8;
	[tilespmem:$0x2D50] =	vst v63  }
0x2e: {  	_ =	swait.ge [sflag:s11], $0x500  }
0x2f: {  	s13 =	sadd.s32 $0x1, s13;
	[sflag:s11] =	ssyncset.done $0x0  }
0x30: {  	p0 =	sne.s32 s13, s8;
	[sflag:s11] =	ssyncadd.s32 $0xFFFFFB00  }
.Ltmp1:
0x31: {  	[bflag:$0x0] =	sbarrier.arrive $0xFFFF;
	(pc) =	sbr.rel @p0 .LBB2_1-.Ltmp1, $4  }
0x32: {  	[hbm:s7], [sflag:s6] =	dma.local [spmem:s10], $0x500  }
0x33: {  	_ =	swait.ge [sflag:s11], $0x500  }
0x34: {  	[sflag:s11] =	ssyncset.done $0x0  }
0x35: {  	[sflag:s11] =	ssyncadd.s32 $0xFFFFFB00  }
0x36: {  	_ =	sfence.sel $0x180000  }
0x37: {  	[bflag:$0x0] =	sbarrier.arrive $0xFFFF  }
0x38: {  	p0 =	sne.s32 s0, $0x0;
	_ =	strace $0x90000047  }
0x39: {  	s0 =	sadd.s32 @!p0 $0x100000, s1;
	[bflag:$0x2] =	sbarrier.arrive $0xFFFF  }
0x3a: {  	[sflag:s0] =	ssyncadd.tile.s32 @!p0 $0x1;
	_ =	shalt  }
.Lfunc_end2:
_tile_overlayer_lowered:
.L_overlay_start_2:
0x3b: {  	(tag) =	ssettag $0x2  }
0x3c: {  	s0 =	rddreg [dreg:$0x0];
	s2 =	stileid.u32  }
0x3d: {  	s1 =	rddreg [dreg:$0x1];
	p0 =	sne.s32 s2, $0x0  }
0x3e: {  	s3 =	rddreg [dreg:$0x2];
	[bflag:$0x3] =	sbarrier.arrive $0xFFFF;
	s2 =	simm.s32 @!p0 $0x1C01  }
0x3f: {  	[timem:s3], [sflag:s2] =	dma.local @!p0 [hbm:s0], s1  }
0x40: {  	s0 =	simm.s32 @!p0 $0x1  }
0x41: {  	_ =	swait.ge @!p0 [sflag:s0], s1  }
0x42: {  	s1 =	ssub.s32 @!p0 $0x0, s1;
	[sflag:s0] =	ssyncset.done @!p0 $0x0  }
0x43: {  	[sflag:s0] =	ssyncadd.s32 @!p0 s1  }
0x44: {  	[bflag:$0x3] =	sbarrier.arrive $0xFFFF  }
0x45: {  	_ =	shalt  }

// kernel: kernel.13.cloned.1.call-start
scs
__scs_entry_jumppad:
0x0: {  	(pc) =	sbr.rel $0x88, $3  }
0x1: {  	(tag) =	ssettag $0x0;
	lr =	simm.s32 $0x1  }
0x2: {  	[smem:$0x3F98] =	sst lr;
	_ =	strace $0xD0000000  }
0x3: {  	_ = 	snop  }
0x4: {  	_ = 	snop  }
0x5: {  	_ = 	snop  }
0x6: {  	_ = 	snop  }
0x7: {  	_ = 	snop  }
__scs_overlays_trampoline_lowered:
0x8: {  	[smem:$0x3FA7] =	sst s0  }
0x9: {  	[smem:$0x3FA8] =	sst s1  }
0xa: {  	[smem:$0x3FA9] =	sst s2  }
0xb: {  	[smem:$0x3FAA] =	sst s3  }
0xc: {  	[smem:$0x3FAB] =	sst s4  }
0xd: {  	[smem:$0x3FAC] =	sst s5  }
0xe: {  	[smem:$0x3FAD] =	sst s6  }
0xf: {  	[smem:$0x3FAE] =	sst s7  }
0x10: {  	[smem:$0x3FAF] =	sst s8  }
0x11: {  	[smem:$0x3FB0] =	sst s9;
	s0 =	simm.s32 @!p0 $0x0  }
0x12: {  	s1 =	sld [smem:$0x3F96];
	s0 =	simm.s32 @p0 $0x1  }
0x13: {  	[smem:$0x3FB1] =	sst s0;
	s0 =	simm.s32 @!p1 $0x0  }
0x14: {  	s2 =	sld [smem:$0x3F95];
	s0 =	simm.s32 @p1 $0x1  }
0x15: {  	[smem:$0x3FB2] =	sst s0;
	s0 =	simm.s32 @!p2 $0x0  }
0x16: {  	s3 =	sld [smem:$0x3FDB];
	s0 =	simm.s32 @p2 $0x1  }
0x17: {  	s4 =	simm.s32 $0x1BF5;
	[smem:$0x3FB4] =	sst s0  }
0x18: {  	s0 =	sld [smem:$0x3F97];
	_ =	swait.ge [sflag:s4], $0x0  }
0x19: {  	s7 =	sld [smem:$0x3F98]  }
0x1a: {  	s8 =	sadd.s32 $0xFFFFE003, lr  }
0x1b: {  	s9 =	sadd.s32 $0xFFFFFEF7, lr;
	s5 =	simm.s32 $0xFFFFFFFF;
	p2 =	slt.u32 s8, $0xFFFFF086  }
0x1c: {  	p1 =	slt.u32 s9, $0xF7A;
	s5 =	simm.s32 @!p2 $0x0  }
0x1d: {  	s5 =	simm.s32 @p1 $0x1;
	p0 =	seq.s32 s7, s2  }
0x1e: {  	s7 =	smul.u32 @!p0 $0xF7A, s2;
	p2 =	seq.s32 @!p0 s5, $0x0  }
0x1f: {  	s9 =	smul.u32 $0xF7A, s1;
	s8 =	simm.s32 @!p0 $0x1BF5;
	p2 =	por !p2, p0  }
0x20: {  	[sflag:s8] =	ssyncset.s32 @!p0 $0xFFFFF086;
	s6 =	sadd.s32 @!p0 s3, s7;
	s7 =	simm.s32 @!p0 $0x108  }
0x21: {  	s3 =	sadd.s32 s3, s9;
	s6 =	sadd.s32 @!p0 $0x88, s6;
	s7 =	simm.s32 @p2 $0x1082  }
0x22: {  	[simem:s7], [sflag:s8] =	dma.local @!p0 [hbm:s6], $0xF7A  }
0x23: {  	s9 =	sor.u32 $0xD0000000, s2;
	s6 =	simm.s32 $0x108;
	_ =	swait.ge @!p0 [sflag:s8], $0x0  }
0x24: {  	s3 =	sadd.s32 $0x88, s3;
	s6 =	simm.s32 @!p1 $0x1082;
	[sflag:s4] =	ssyncset.s32 $0xFFFFF086  }
0x25: {  	[simem:s6], [sflag:s4] =	dma.local [hbm:s3], $0xF7A  }
0x26: {  	[smem:$0x3F98] =	sst s1;
	(tag) =	ssettag s2;
	_ =	strace s9  }
0x27: {  	s1 =	sld [smem:$0x3FA8]  }
0x28: {  	s2 =	sld [smem:$0x3FA9]  }
0x29: {  	s4 =	sld [smem:$0x3FAB]  }
0x2a: {  	p0 =	seq.s32 s5, $0x0;
	s5 =	sld [smem:$0x3FAC]  }
0x2b: {  	s6 =	sld [smem:$0x3FAD]  }
0x2c: {  	s7 =	sld [smem:$0x3FAE]  }
0x2d: {  	s3 =	simm.s32 $0x108;
	s8 =	sld [smem:$0x3FAF]  }
0x2e: {  	s3 =	simm.s32 @!p0 $0x1082;
	s9 =	sld [smem:$0x3FB0]  }
0x2f: {  	lr =	sadd.s32 s0, s3;
	s0 =	sld [smem:$0x3FA7]  }
0x30: {  	s3 =	sld [smem:$0x3FAA]  }
0x31: {  	[smem:$0x3FB3] =	sst s10  }
0x32: {  	s10 =	sld [smem:$0x3FB1];
	_ =	sdelay $0x3  }
0x33: {  	p0 =	seq.s32 s10, $0x1;
	s10 =	sld [smem:$0x3FB3];
	_ =	sdelay $0x3  }
0x34: {  	[smem:$0x3FB3] =	sst s10  }
0x35: {  	s10 =	sld [smem:$0x3FB2];
	_ =	sdelay $0x3  }
0x36: {  	p1 =	seq.s32 s10, $0x1;
	s10 =	sld [smem:$0x3FB3];
	_ =	sdelay $0x3  }
0x37: {  	[smem:$0x3FB3] =	sst s10  }
0x38: {  	s10 =	sld [smem:$0x3FB4]  }
0x39: {  	_ = 	snop;
	(pc) =	sbr.ind lr, $3  }
0x3a: {  	_ = 	snop  }
0x3b: {  	_ = 	snop  }
0x3c: {  	p2 =	seq.s32 s10, $0x1;
	s10 =	sld [smem:$0x3FB3]  }
0x3d: {  	_ =	shalt  }
0x3e: {  	_ =	shalt  }
0x3f: {  	_ =	shalt  }
0x40: {  	_ =	shalt  }
0x41: {  	_ =	shalt  }
0x42: {  	_ =	shalt  }
0x43: {  	_ =	shalt  }
0x44: {  	_ =	shalt  }
0x45: {  	_ =	shalt  }
0x46: {  	_ =	shalt  }
0x47: {  	_ =	shalt  }
0x48: {  	_ =	shalt  }
0x49: {  	_ =	shalt  }
0x4a: {  	_ =	shalt  }
0x4b: {  	_ =	shalt  }
0x4c: {  	_ =	shalt  }
0x4d: {  	_ =	shalt  }
0x4e: {  	_ =	shalt  }
0x4f: {  	_ =	shalt  }
0x50: {  	_ =	shalt  }
0x51: {  	_ =	shalt  }
0x52: {  	_ =	shalt  }
0x53: {  	_ =	shalt  }
0x54: {  	_ =	shalt  }
0x55: {  	_ =	shalt  }
0x56: {  	_ =	shalt  }
0x57: {  	_ =	shalt  }
0x58: {  	_ =	shalt  }
0x59: {  	_ =	shalt  }
0x5a: {  	_ =	shalt  }
0x5b: {  	_ =	shalt  }
0x5c: {  	_ =	shalt  }
0x5d: {  	_ =	shalt  }
0x5e: {  	_ =	shalt  }
0x5f: {  	_ =	shalt  }
0x60: {  	_ =	shalt  }
0x61: {  	_ =	shalt  }
0x62: {  	_ =	shalt  }
0x63: {  	_ =	shalt  }
0x64: {  	_ =	shalt  }
0x65: {  	_ =	shalt  }
0x66: {  	_ =	shalt  }
0x67: {  	_ =	shalt  }
0x68: {  	_ =	shalt  }
0x69: {  	_ =	shalt  }
0x6a: {  	_ =	shalt  }
0x6b: {  	_ =	shalt  }
0x6c: {  	_ =	shalt  }
0x6d: {  	_ =	shalt  }
0x6e: {  	_ =	shalt  }
0x6f: {  	_ =	shalt  }
0x70: {  	_ =	shalt  }
0x71: {  	_ =	shalt  }
0x72: {  	_ =	shalt  }
0x73: {  	_ =	shalt  }
0x74: {  	_ =	shalt  }
0x75: {  	_ =	shalt  }
0x76: {  	_ =	shalt  }
0x77: {  	_ =	shalt  }
0x78: {  	_ =	shalt  }
0x79: {  	_ =	shalt  }
0x7a: {  	_ =	shalt  }
0x7b: {  	_ =	shalt  }
0x7c: {  	_ =	shalt  }
0x7d: {  	_ =	shalt  }
0x7e: {  	_ =	shalt  }
0x7f: {  	_ =	shalt  }
0x80: {  	_ =	shalt  }
0x81: {  	_ =	shalt  }
0x82: {  	_ =	shalt  }
0x83: {  	_ =	shalt  }
0x84: {  	_ =	shalt  }
0x85: {  	_ =	shalt  }
0x86: {  	_ =	shalt  }
0x87: {  	_ =	shalt  }
.Lfunc_end0:
.L_simem_size_0:
called_computation.1_lowered:
.L_overlay_start_0:
0x88: {  	s2 =	sld [smem:$0x3FD9]  }
0x89: {  	s3 =	sld [smem:$0x3FFE];
	_ =	sdelay $0x1  }
0x8a: {  	s1 =	srdreg.scid  }
0x8b: {  	s0 =	sand.u32 $0x1, s1  }
0x8c: {  	s17 =	sshll.u32 s0, $0xA;
	s2 =	sadd.s32 s3, s2  }
0x8d: {  	s2 =	sadd.s32 s2, s17  }
0x8e: {  	[smem:$0x3FBF] =	sst s2  }
0x8f: {  	_ = 	snop  }
0x90: {  	s2 =	sld [smem:$0x3FD0];
	(tm) =	ssettm $0x1  }
0x91: {  	s18 =	sld [smem:$0x3FFB];
	_ =	sdelay $0x3  }
0x92: {  	_ =	strace s18  }
0x93: {  	s3 =	sld [smem:$0x3FFC];
	_ =	sdelay $0x3  }
0x94: {  	_ =	strace s3  }
0x95: {  	s3 =	sld [smem:$0x3FFD];
	_ =	sdelay $0x3  }
0x96: {  	_ =	strace s3  }
0x97: {  	_ =	strace $0x8FFFFFFF  }
0x98: {  	s19 =	sld [smem:$0x3FDB];
	_ =	sdelay $0x1  }
0x99: {  	s4 =	simm.s32 $_scs_section_size  }
0x9a: {  	s5 =	simm.s32 $_size__tile_overlayer_lowered;
	s6 =	simm.s32 $_tile_overlayer_lowered  }
0x9b: {  	s22 =	simm.s32 $0x1BFF;
	s21 =	sshll.u32 s6, $0x1;
	s3 =	sadd.s32 s4, s19  }
0x9c: {  	s7 =	simm.s32 $0x0;
	s20 =	sshll.u32 s5, $0x1;
	s5 =	sadd.s32 s21, s3  }
0x9d: {  	[timem:s7], [sflag:s22] =	dma.local [hbm:s5], s20  }
0x9e: {  	_ =	swait.ge [sflag:s22], s20  }
0x9f: {  	s4 =	ssub.s32 $0x0, s20;
	[sflag:s22] =	ssyncset.done $0x0  }
0xa0: {  	[sflag:s22] =	ssyncadd.s32 s4;
	_ =	sdelay $0x1  }
0xa1: {  	s23 =	simm.s32 $0x1B8B  }
0xa2: {  	_ =	swait.ge [sflag:s23], $0x1  }
0xa3: {  	[sflag:s23] =	ssyncset.done $0x0  }
0xa4: {  	s25 =	simm.s32 $0x1B8E;
	s24 =	sld [smem:$0x3FFE];
	[sflag:s23] =	ssyncadd.s32 $0xFFFFFFFF  }
0xa5: {  	s26 =	simm.s32 $execute0_lowered;
	[smem:$0x3FD2] =	sst s25  }
0xa6: {  	s5 =	sshll.u32 s26, $0x1;
	_ =	strace $0x80000049;
	[dreg:$0x1] =	wrdreg $0xFFFFFFFF  }
0xa7: {  	s28 =	simm.s32 $_size_execute0_lowered;
	s3 =	sadd.s32 s3, s5;
	[dreg:$0x0] =	wrdreg $0x0  }
0xa8: {  	s5 =	sshll.u32 s28, $0x1;
	[dreg:$0x2] =	wrdreg s3  }
0xa9: {  	[dreg:$0x3] =	wrdreg s5  }
0xaa: {  	[dreg:$0x4] =	wrdreg $0xC0  }
0xab: {  	_ =	task [dreg:s7], $0x5FFFF  }
0xac: {  	[dreg:$0x1] =	wrdreg $0xFFFFFFFF  }
0xad: {  	[dreg:$0x0] =	wrdreg $0x60  }
0xae: {  	[dreg:$0x2] =	wrdreg s24  }
0xaf: {  	[dreg:$0x3] =	wrdreg s2  }
0xb0: {  	[dreg:$0x4] =	wrdreg $0x29000  }
0xb1: {  	[dreg:$0x5] =	wrdreg $0x9  }
0xb2: {  	_ =	task.clear_ibuf [dreg:s7], $0x6FFFF;
	_ =	strace $0x90000049  }
0xb3: {  	s29 =	simm.s32 $0x9;
	_ =	strace $0x8000004B  }
0xb4: {  	_ =	swait.ge [sflag:s29], $0x1  }
0xb5: {  	[sflag:s29] =	ssyncadd.s32 $0xFFFFFFFF  }
0xb6: {  	_ =	strace $0x9000004B  }
0xb7: {  	_ =	sfence  }
0xb8: {  	s30 =	sld [smem:$0x0];
	_ =	sdelay $0x2  }
0xb9: {  	s31 =	sshll.u32 s1, $0xD;
	s1 =	sshrl.u32 s1, $0x2  }
0xba: {  	s3 =	sand.u32 $0x4000, s31;
	s1 =	sadd.s32 s1, s30  }
0xbb: {  	s0 =	sor.u32 s3, s0;
	s1 =	sshll.u32 s1, $0x11  }
0xbc: {  	s0 =	sor.u32 s1, s0  }
0xbd: {  	s0 =	sadd.s32 $0x8F2B, s0  }
0xbe: {  	[sflag:s0] =	ssyncadd.remote.s32 $0x1  }
0xbf: {  	_ =	sfence.sel $0xFFFF  }
0xc0: {  	[dreg:$0x0] =	wrdreg $0xFFFFFFFF;
	(pc) =	sbr.abs _section_cstart, $3  }
0xc1: {  	[dreg:$0x1] =	wrdreg $0xFFFFFFFF  }
0xc2: {  	_ =	task.clear_ibuf [dreg:s7], $0x2FFFF;
	_ =	strace $0x9FFFFFFF  }
0xc3: {  	(tm) =	ssettm $0x7FFFFFFF  }
tec
execute0_lowered:
.L_overlay_start_1:
0x0: {  	(tag) =	ssettag $0x1  }
0x1: {  	s5 =	rddreg [dreg:$0x0]  }
0x2: {  	s7 =	rddreg [dreg:$0x1]  }
0x3: {  	s1 =	rddreg [dreg:$0x2];
	s2 =	srdreg.scid  }
0x4: {  	s0 =	rddreg [dreg:$0x3];
	s6 =	sand.u32 $0x1, s2  }
0x5: {  	s3 =	simm.s32 $0x0;
	s2 =	stileid.u32;
	s8 =	smul.u32 $0x27100, s6  }
0x6: {  	s13 =	simm.s32 $0x80;
	s14 =	simm.s32 $0x50;
	s9 =	smul.u32 $0x2710, s2  }
0x7: {  	s15 =	simm.s32 $0x100;
	s16 =	simm.s32 $0x0;
	s28 =	smul.u32 $0x2800, s2  }
0x8: {  	[smem:$0x7FF] =	sst s3;
	s4 =	sadd.s32 $0x16E00, s5;
	s11 =	smul.u32 $0x50000, s2  }
0x9: {  	_ =	strace $0x8000004A;
	s10 =	ssub.s32 $0x2, s6;
	s6 =	smul.u32 $0x28000, s6  }
0xa: {  	s31 =	sshll.u32 s2, $0x6;
	s29 =	sshrl.u32 s10, $0x1;
	s8 =	sadd.s32 s9, s8  }
0xb: {  	s30 =	sshrl.u32 s11, $0x2;
	s9 =	sadd.s32 s28, s6;
	s6 =	sor.u32 $0x1C01, s31  }
0xc: {  	s8 =	sshrl.u32 s8, $0x3;
	s11 =	sadd.s32 s30, s1;
	s7 =	sadd.s32 s7, s9  }
0xd: {  	s12 =	sadd.s32 s8, s5;
	s5 =	sadd.s32 s28, s5;
	s8 =	ssub.s32 s10, s29  }
0xe: {  	s11 =	sshrl.u32 s11, $0x3;
	s5 =	sadd.s32 $0x3E000, s5;
	s8 =	smax.u32 s8, $0x1  }
0xf: {  	s9 =	sadd.s32 $0xD000, s12;
	s10 =	sadd.s32 $0x3200, s12;
	s12 =	simm.s32 $0x1  }
.LBB2_1:
0x10: {  	[spmem:s11], [sflag:s6] =	dma.local [hbm:s5], $0x2800  }
0x11: {  	_ =	swait.ge [sflag:s12], $0x2800  }
0x12: {  	[sflag:s12] =	ssyncset.done $0x0  }
0x13: {  	[sflag:s12] =	ssyncadd.s32 $0xFFFFD800  }
0x14: {  	s17 =	sadd.s32 $0x0, s10;
	[bflag:$0x0] =	sbarrier.arrive $0xFFFF  }
0x15: {  	[tilespmem:s3], [sflag:$0x1] =	stream.linear.gather [hbm4b:s17+s3], $0x50, $0x38;
	[tilespmem:$0x16900] =	vst v63  }
0x16: {  	_ =	swait.ge [sflag:s12], $0x50  }
0x17: {  	[sflag:s12] =	ssyncset.done $0x0  }
0x18: {  	s31 =	sadd.s32 $0x0, s9;
	[sflag:s12] =	ssyncadd.s32 $0xFFFFFFB0  }
0x19: {  	[tilespmem:s13], [sflag:$0x1] =	stream.linear.gather [hbm4b:s31+s3], $0x50, $0x38;
	[tilespmem:$0x16900] =	vst v63  }
0x1a: {  	_ =	swait.ge [sflag:s12], $0x50  }
0x1b: {  	[sflag:s12] =	ssyncset.done $0x0  }
0x1c: {  	[sflag:s12] =	ssyncadd.s32 $0xFFFFFFB0  }
0x1d: {  	[tilespmem:s15], [sflag:$0x1] =	stream.indirect.gather [hbm4b:s4+s14], $0x80, s3, s14, $0xb8;
	[tilespmem:$0x16900] =	vst v63  }
0x1e: {  	_ =	swait.ge [sflag:s12], $0x2800  }
0x1f: {  	[sflag:s12] =	ssyncset.done $0x0  }
0x20: {  	[sflag:s12] =	ssyncadd.s32 $0xFFFFD800  }
0x21: {  	[spmem:s1] =	stream.indirect.scatter.add.f32 [tilespmem:s15], [sflag:$0x1], $0x80, s13, s14, $0xb8;
	[tilespmem:$0x16900] =	vst v63  }
0x22: {  	_ =	swait.ge [sflag:s12], $0x2800  }
0x23: {  	s18 =	simm.s32 $0x14;
	s17 =	simm.s32 $0xA;
	[sflag:s12] =	ssyncset.done $0x0  }
.LBB2_2:
0x24: {  	s19 =	sadd.s32 s17, s10  }
0x25: {  	[sflag:s12] =	ssyncadd.s32 $0xFFFFD800;
	s20 =	smov.u32 s18;
	s21 =	sadd.s32 $0xA, s18  }
0x26: {  	[tilespmem:s3], [sflag:$0x1] =	stream.linear.gather [hbm4b:s19+s3], $0x50, $0x38;
	[tilespmem:$0x16900] =	vst v63  }
0x27: {  	p0 =	sne.s32 s18, $0x4D8;
	_ =	swait.ge [sflag:s12], $0x50  }
0x28: {  	[sflag:s12] =	ssyncset.done $0x0  }
0x29: {  	s18 =	sadd.s32 s17, s9;
	s17 =	smov.u32 s20;
	[sflag:s12] =	ssyncadd.s32 $0xFFFFFFB0  }
0x2a: {  	[tilespmem:s13], [sflag:$0x1] =	stream.linear.gather [hbm4b:s18+s3], $0x50, $0x38;
	[tilespmem:$0x16900] =	vst v63  }
0x2b: {  	_ =	swait.ge [sflag:s12], $0x50  }
0x2c: {  	[sflag:s12] =	ssyncset.done $0x0  }
0x2d: {  	[sflag:s12] =	ssyncadd.s32 $0xFFFFFFB0  }
0x2e: {  	[tilespmem:s15], [sflag:$0x1] =	stream.indirect.gather [hbm4b:s4+s14], $0x80, s3, s14, $0xb8;
	[tilespmem:$0x16900] =	vst v63  }
0x2f: {  	_ =	swait.ge [sflag:s12], $0x2800  }
.Ltmp0:
0x30: {  	[sflag:s12] =	ssyncset.done $0x0;
	(pc) =	sbr.rel @p0 .LBB2_2-.Ltmp0, $4  }
0x31: {  	[sflag:s12] =	ssyncadd.s32 $0xFFFFD800  }
0x32: {  	[spmem:s1] =	stream.indirect.scatter.add.f32 [tilespmem:s15], [sflag:$0x1], $0x80, s13, s14, $0xb8;
	[tilespmem:$0x16900] =	vst v63  }
0x33: {  	_ =	swait.ge [sflag:s12], $0x2800  }
0x34: {  	s18 =	smov.u32 s21;
	[sflag:s12] =	ssyncset.done $0x0  }
0x35: {  	s18 =	sadd.s32 s17, s10;
	[sflag:s12] =	ssyncadd.s32 $0xFFFFD800  }
0x36: {  	[tilespmem:s3], [sflag:$0x1] =	stream.linear.gather [hbm4b:s18+s3], $0x50, $0x38;
	[tilespmem:$0x16900] =	vst v63  }
0x37: {  	_ =	swait.ge [sflag:s12], $0x50  }
0x38: {  	[sflag:s12] =	ssyncset.done $0x0  }
0x39: {  	s31 =	sadd.s32 s17, s9;
	[sflag:s12] =	ssyncadd.s32 $0xFFFFFFB0  }
0x3a: {  	[tilespmem:s13], [sflag:$0x1] =	stream.linear.gather [hbm4b:s31+s3], $0x50, $0x38;
	[tilespmem:$0x16900] =	vst v63  }
0x3b: {  	_ =	swait.ge [sflag:s12], $0x50  }
0x3c: {  	[sflag:s12] =	ssyncset.done $0x0  }
0x3d: {  	[sflag:s12] =	ssyncadd.s32 $0xFFFFFFB0  }
0x3e: {  	[tilespmem:s15], [sflag:$0x1] =	stream.indirect.gather [hbm4b:s4+s14], $0x80, s3, s14, $0xb8;
	[tilespmem:$0x16900] =	vst v63  }
0x3f: {  	_ =	swait.ge [sflag:s12], $0x2800  }
0x40: {  	[sflag:s12] =	ssyncset.done $0x0  }
0x41: {  	[sflag:s12] =	ssyncadd.s32 $0xFFFFD800  }
0x42: {  	[spmem:s1] =	stream.indirect.scatter.add.f32 [tilespmem:s15], [sflag:$0x1], $0x80, s13, s14, $0xb8;
	[tilespmem:$0x16900] =	vst v63  }
0x43: {  	_ =	swait.ge [sflag:s12], $0x2800  }
0x44: {  	s16 =	sadd.s32 $0x1, s16;
	[sflag:s12] =	ssyncset.done $0x0  }
0x45: {  	p0 =	sne.s32 s16, s8;
	[sflag:s12] =	ssyncadd.s32 $0xFFFFD800  }
.Ltmp1:
0x46: {  	[bflag:$0x0] =	sbarrier.arrive $0xFFFF;
	(pc) =	sbr.rel @p0 .LBB2_1-.Ltmp1, $4  }
0x47: {  	[hbm:s7], [sflag:s6] =	dma.local [spmem:s11], $0x2800  }
0x48: {  	_ =	swait.ge [sflag:s12], $0x2800  }
0x49: {  	[sflag:s12] =	ssyncset.done $0x0  }
0x4a: {  	[sflag:s12] =	ssyncadd.s32 $0xFFFFD800  }
0x4b: {  	_ =	sfence.sel $0x180000  }
0x4c: {  	[bflag:$0x0] =	sbarrier.arrive $0xFFFF  }
0x4d: {  	p0 =	sne.s32 s2, $0x0;
	_ =	strace $0x9000004A  }
0x4e: {  	s0 =	sadd.s32 @!p0 $0x100000, s0;
	[bflag:$0x2] =	sbarrier.arrive $0xFFFF  }
0x4f: {  	[sflag:s0] =	ssyncadd.tile.s32 @!p0 $0x1;
	_ =	shalt  }
.Lfunc_end2:
_tile_overlayer_lowered:
.L_overlay_start_2:
0x50: {  	(tag) =	ssettag $0x2  }
0x51: {  	s0 =	rddreg [dreg:$0x0];
	s2 =	stileid.u32  }
0x52: {  	s1 =	rddreg [dreg:$0x1];
	p0 =	sne.s32 s2, $0x0  }
0x53: {  	s3 =	rddreg [dreg:$0x2];
	[bflag:$0x3] =	sbarrier.arrive $0xFFFF;
	s2 =	simm.s32 @!p0 $0x1C01  }
0x54: {  	[timem:s3], [sflag:s2] =	dma.local @!p0 [hbm:s0], s1  }
0x55: {  	s0 =	simm.s32 @!p0 $0x1  }
0x56: {  	_ =	swait.ge @!p0 [sflag:s0], s1  }
0x57: {  	s1 =	ssub.s32 @!p0 $0x0, s1;
	[sflag:s0] =	ssyncset.done @!p0 $0x0  }
0x58: {  	[sflag:s0] =	ssyncadd.s32 @!p0 s1  }
0x59: {  	[bflag:$0x3] =	sbarrier.arrive $0xFFFF  }
0x5a: {  	_ =	shalt  }

// kernel: kernel.16.cloned.1.call-start
scs
__scs_entry_jumppad:
0x0: {  	(pc) =	sbr.rel $0x88, $3  }
0x1: {  	(tag) =	ssettag $0x0;
	lr =	simm.s32 $0x1  }
0x2: {  	[smem:$0x3F98] =	sst lr;
	_ =	strace $0xD0000000  }
0x3: {  	_ = 	snop  }
0x4: {  	_ = 	snop  }
0x5: {  	_ = 	snop  }
0x6: {  	_ = 	snop  }
0x7: {  	_ = 	snop  }
__scs_overlays_trampoline_lowered:
0x8: {  	[smem:$0x3FA7] =	sst s0  }
0x9: {  	[smem:$0x3FA8] =	sst s1  }
0xa: {  	[smem:$0x3FA9] =	sst s2  }
0xb: {  	[smem:$0x3FAA] =	sst s3  }
0xc: {  	[smem:$0x3FAB] =	sst s4  }
0xd: {  	[smem:$0x3FAC] =	sst s5  }
0xe: {  	[smem:$0x3FAD] =	sst s6  }
0xf: {  	[smem:$0x3FAE] =	sst s7  }
0x10: {  	[smem:$0x3FAF] =	sst s8  }
0x11: {  	[smem:$0x3FB0] =	sst s9;
	s0 =	simm.s32 @!p0 $0x0  }
0x12: {  	s1 =	sld [smem:$0x3F96];
	s0 =	simm.s32 @p0 $0x1  }
0x13: {  	[smem:$0x3FB1] =	sst s0;
	s0 =	simm.s32 @!p1 $0x0  }
0x14: {  	s2 =	sld [smem:$0x3F95];
	s0 =	simm.s32 @p1 $0x1  }
0x15: {  	[smem:$0x3FB2] =	sst s0;
	s0 =	simm.s32 @!p2 $0x0  }
0x16: {  	s3 =	sld [smem:$0x3FDB];
	s0 =	simm.s32 @p2 $0x1  }
0x17: {  	s4 =	simm.s32 $0x1BF5;
	[smem:$0x3FB4] =	sst s0  }
0x18: {  	s0 =	sld [smem:$0x3F97];
	_ =	swait.ge [sflag:s4], $0x0  }
0x19: {  	s7 =	sld [smem:$0x3F98]  }
0x1a: {  	s8 =	sadd.s32 $0xFFFFE003, lr  }
0x1b: {  	s9 =	sadd.s32 $0xFFFFFEF7, lr;
	s5 =	simm.s32 $0xFFFFFFFF;
	p2 =	slt.u32 s8, $0xFFFFF086  }
0x1c: {  	p1 =	slt.u32 s9, $0xF7A;
	s5 =	simm.s32 @!p2 $0x0  }
0x1d: {  	s5 =	simm.s32 @p1 $0x1;
	p0 =	seq.s32 s7, s2  }
0x1e: {  	s7 =	smul.u32 @!p0 $0xF7A, s2;
	p2 =	seq.s32 @!p0 s5, $0x0  }
0x1f: {  	s9 =	smul.u32 $0xF7A, s1;
	s8 =	simm.s32 @!p0 $0x1BF5;
	p2 =	por !p2, p0  }
0x20: {  	[sflag:s8] =	ssyncset.s32 @!p0 $0xFFFFF086;
	s6 =	sadd.s32 @!p0 s3, s7;
	s7 =	simm.s32 @!p0 $0x108  }
0x21: {  	s3 =	sadd.s32 s3, s9;
	s6 =	sadd.s32 @!p0 $0x88, s6;
	s7 =	simm.s32 @p2 $0x1082  }
0x22: {  	[simem:s7], [sflag:s8] =	dma.local @!p0 [hbm:s6], $0xF7A  }
0x23: {  	s9 =	sor.u32 $0xD0000000, s2;
	s6 =	simm.s32 $0x108;
	_ =	swait.ge @!p0 [sflag:s8], $0x0  }
0x24: {  	s3 =	sadd.s32 $0x88, s3;
	s6 =	simm.s32 @!p1 $0x1082;
	[sflag:s4] =	ssyncset.s32 $0xFFFFF086  }
0x25: {  	[simem:s6], [sflag:s4] =	dma.local [hbm:s3], $0xF7A  }
0x26: {  	[smem:$0x3F98] =	sst s1;
	(tag) =	ssettag s2;
	_ =	strace s9  }
0x27: {  	s1 =	sld [smem:$0x3FA8]  }
0x28: {  	s2 =	sld [smem:$0x3FA9]  }
0x29: {  	s4 =	sld [smem:$0x3FAB]  }
0x2a: {  	p0 =	seq.s32 s5, $0x0;
	s5 =	sld [smem:$0x3FAC]  }
0x2b: {  	s6 =	sld [smem:$0x3FAD]  }
0x2c: {  	s7 =	sld [smem:$0x3FAE]  }
0x2d: {  	s3 =	simm.s32 $0x108;
	s8 =	sld [smem:$0x3FAF]  }
0x2e: {  	s3 =	simm.s32 @!p0 $0x1082;
	s9 =	sld [smem:$0x3FB0]  }
0x2f: {  	lr =	sadd.s32 s0, s3;
	s0 =	sld [smem:$0x3FA7]  }
0x30: {  	s3 =	sld [smem:$0x3FAA]  }
0x31: {  	[smem:$0x3FB3] =	sst s10  }
0x32: {  	s10 =	sld [smem:$0x3FB1];
	_ =	sdelay $0x3  }
0x33: {  	p0 =	seq.s32 s10, $0x1;
	s10 =	sld [smem:$0x3FB3];
	_ =	sdelay $0x3  }
0x34: {  	[smem:$0x3FB3] =	sst s10  }
0x35: {  	s10 =	sld [smem:$0x3FB2];
	_ =	sdelay $0x3  }
0x36: {  	p1 =	seq.s32 s10, $0x1;
	s10 =	sld [smem:$0x3FB3];
	_ =	sdelay $0x3  }
0x37: {  	[smem:$0x3FB3] =	sst s10  }
0x38: {  	s10 =	sld [smem:$0x3FB4]  }
0x39: {  	_ = 	snop;
	(pc) =	sbr.ind lr, $3  }
0x3a: {  	_ = 	snop  }
0x3b: {  	_ = 	snop  }
0x3c: {  	p2 =	seq.s32 s10, $0x1;
	s10 =	sld [smem:$0x3FB3]  }
0x3d: {  	_ =	shalt  }
0x3e: {  	_ =	shalt  }
0x3f: {  	_ =	shalt  }
0x40: {  	_ =	shalt  }
0x41: {  	_ =	shalt  }
0x42: {  	_ =	shalt  }
0x43: {  	_ =	shalt  }
0x44: {  	_ =	shalt  }
0x45: {  	_ =	shalt  }
0x46: {  	_ =	shalt  }
0x47: {  	_ =	shalt  }
0x48: {  	_ =	shalt  }
0x49: {  	_ =	shalt  }
0x4a: {  	_ =	shalt  }
0x4b: {  	_ =	shalt  }
0x4c: {  	_ =	shalt  }
0x4d: {  	_ =	shalt  }
0x4e: {  	_ =	shalt  }
0x4f: {  	_ =	shalt  }
0x50: {  	_ =	shalt  }
0x51: {  	_ =	shalt  }
0x52: {  	_ =	shalt  }
0x53: {  	_ =	shalt  }
0x54: {  	_ =	shalt  }
0x55: {  	_ =	shalt  }
0x56: {  	_ =	shalt  }
0x57: {  	_ =	shalt  }
0x58: {  	_ =	shalt  }
0x59: {  	_ =	shalt  }
0x5a: {  	_ =	shalt  }
0x5b: {  	_ =	shalt  }
0x5c: {  	_ =	shalt  }
0x5d: {  	_ =	shalt  }
0x5e: {  	_ =	shalt  }
0x5f: {  	_ =	shalt  }
0x60: {  	_ =	shalt  }
0x61: {  	_ =	shalt  }
0x62: {  	_ =	shalt  }
0x63: {  	_ =	shalt  }
0x64: {  	_ =	shalt  }
0x65: {  	_ =	shalt  }
0x66: {  	_ =	shalt  }
0x67: {  	_ =	shalt  }
0x68: {  	_ =	shalt  }
0x69: {  	_ =	shalt  }
0x6a: {  	_ =	shalt  }
0x6b: {  	_ =	shalt  }
0x6c: {  	_ =	shalt  }
0x6d: {  	_ =	shalt  }
0x6e: {  	_ =	shalt  }
0x6f: {  	_ =	shalt  }
0x70: {  	_ =	shalt  }
0x71: {  	_ =	shalt  }
0x72: {  	_ =	shalt  }
0x73: {  	_ =	shalt  }
0x74: {  	_ =	shalt  }
0x75: {  	_ =	shalt  }
0x76: {  	_ =	shalt  }
0x77: {  	_ =	shalt  }
0x78: {  	_ =	shalt  }
0x79: {  	_ =	shalt  }
0x7a: {  	_ =	shalt  }
0x7b: {  	_ =	shalt  }
0x7c: {  	_ =	shalt  }
0x7d: {  	_ =	shalt  }
0x7e: {  	_ =	shalt  }
0x7f: {  	_ =	shalt  }
0x80: {  	_ =	shalt  }
0x81: {  	_ =	shalt  }
0x82: {  	_ =	shalt  }
0x83: {  	_ =	shalt  }
0x84: {  	_ =	shalt  }
0x85: {  	_ =	shalt  }
0x86: {  	_ =	shalt  }
0x87: {  	_ =	shalt  }
.Lfunc_end0:
.L_simem_size_0:
called_computation.2_lowered:
.L_overlay_start_0:
0x88: {  	s2 =	sld [smem:$0x3FD9]  }
0x89: {  	s3 =	sld [smem:$0x3FFE];
	_ =	sdelay $0x1  }
0x8a: {  	s1 =	srdreg.scid  }
0x8b: {  	s0 =	sand.u32 $0x1, s1  }
0x8c: {  	s17 =	sshll.u32 s0, $0xA;
	s2 =	sadd.s32 s3, s2  }
0x8d: {  	s2 =	sadd.s32 s2, s17  }
0x8e: {  	[smem:$0x3FBF] =	sst s2  }
0x8f: {  	_ = 	snop  }
0x90: {  	s2 =	sld [smem:$0x3FD0];
	(tm) =	ssettm $0x1  }
0x91: {  	s18 =	sld [smem:$0x3FFB];
	_ =	sdelay $0x3  }
0x92: {  	_ =	strace s18  }
0x93: {  	s3 =	sld [smem:$0x3FFC];
	_ =	sdelay $0x3  }
0x94: {  	_ =	strace s3  }
0x95: {  	s3 =	sld [smem:$0x3FFD];
	_ =	sdelay $0x3  }
0x96: {  	_ =	strace s3  }
0x97: {  	_ =	strace $0x8FFFFFFF  }
0x98: {  	s19 =	sld [smem:$0x3FDB];
	_ =	sdelay $0x1  }
0x99: {  	s4 =	simm.s32 $_scs_section_size  }
0x9a: {  	s5 =	simm.s32 $_size__tile_overlayer_lowered;
	s6 =	simm.s32 $_tile_overlayer_lowered  }
0x9b: {  	s22 =	simm.s32 $0x1BFF;
	s21 =	sshll.u32 s6, $0x1;
	s3 =	sadd.s32 s4, s19  }
0x9c: {  	s7 =	simm.s32 $0x0;
	s20 =	sshll.u32 s5, $0x1;
	s5 =	sadd.s32 s21, s3  }
0x9d: {  	[timem:s7], [sflag:s22] =	dma.local [hbm:s5], s20  }
0x9e: {  	_ =	swait.ge [sflag:s22], s20  }
0x9f: {  	s4 =	ssub.s32 $0x0, s20;
	[sflag:s22] =	ssyncset.done $0x0  }
0xa0: {  	[sflag:s22] =	ssyncadd.s32 s4;
	_ =	sdelay $0x1  }
0xa1: {  	s23 =	simm.s32 $0x1B8B  }
0xa2: {  	_ =	swait.ge [sflag:s23], $0x1  }
0xa3: {  	[sflag:s23] =	ssyncset.done $0x0  }
0xa4: {  	s25 =	simm.s32 $0x1B8E;
	s24 =	sld [smem:$0x3FFE];
	[sflag:s23] =	ssyncadd.s32 $0xFFFFFFFF  }
0xa5: {  	s26 =	simm.s32 $execute0_lowered;
	[smem:$0x3FD2] =	sst s25  }
0xa6: {  	s5 =	sshll.u32 s26, $0x1;
	_ =	strace $0x8000004C;
	[dreg:$0x1] =	wrdreg $0xFFFFFFFF  }
0xa7: {  	s28 =	simm.s32 $_size_execute0_lowered;
	s3 =	sadd.s32 s3, s5;
	[dreg:$0x0] =	wrdreg $0x0  }
0xa8: {  	s5 =	sshll.u32 s28, $0x1;
	[dreg:$0x2] =	wrdreg s3  }
0xa9: {  	[dreg:$0x3] =	wrdreg s5  }
0xaa: {  	[dreg:$0x4] =	wrdreg $0xC0  }
0xab: {  	_ =	task [dreg:s7], $0x5FFFF  }
0xac: {  	[dreg:$0x1] =	wrdreg $0xFFFFFFFF  }
0xad: {  	[dreg:$0x0] =	wrdreg $0x60  }
0xae: {  	[dreg:$0x2] =	wrdreg s24  }
0xaf: {  	[dreg:$0x3] =	wrdreg s2  }
0xb0: {  	[dreg:$0x4] =	wrdreg $0x29000  }
0xb1: {  	[dreg:$0x5] =	wrdreg $0x9  }
0xb2: {  	_ =	task.clear_ibuf [dreg:s7], $0x6FFFF;
	_ =	strace $0x9000004C  }
0xb3: {  	s29 =	simm.s32 $0x9;
	_ =	strace $0x8000004E  }
0xb4: {  	_ =	swait.ge [sflag:s29], $0x1  }
0xb5: {  	[sflag:s29] =	ssyncadd.s32 $0xFFFFFFFF  }
0xb6: {  	_ =	strace $0x9000004E  }
0xb7: {  	_ =	sfence  }
0xb8: {  	s30 =	sld [smem:$0x0];
	_ =	sdelay $0x2  }
0xb9: {  	s31 =	sshll.u32 s1, $0xD;
	s1 =	sshrl.u32 s1, $0x2  }
0xba: {  	s3 =	sand.u32 $0x4000, s31;
	s1 =	sadd.s32 s1, s30  }
0xbb: {  	s0 =	sor.u32 s3, s0;
	s1 =	sshll.u32 s1, $0x11  }
0xbc: {  	s0 =	sor.u32 s1, s0  }
0xbd: {  	s0 =	sadd.s32 $0x8F2B, s0  }
0xbe: {  	[sflag:s0] =	ssyncadd.remote.s32 $0x1  }
0xbf: {  	_ =	sfence.sel $0xFFFF  }
0xc0: {  	[dreg:$0x0] =	wrdreg $0xFFFFFFFF;
	(pc) =	sbr.abs _section_cstart, $3  }
0xc1: {  	[dreg:$0x1] =	wrdreg $0xFFFFFFFF  }
0xc2: {  	_ =	task.clear_ibuf [dreg:s7], $0x2FFFF;
	_ =	strace $0x9FFFFFFF  }
0xc3: {  	(tm) =	ssettm $0x7FFFFFFF  }
tec
execute0_lowered:
.L_overlay_start_1:
0x0: {  	(tag) =	ssettag $0x1  }
0x1: {  	s5 =	rddreg [dreg:$0x0]  }
0x2: {  	s7 =	rddreg [dreg:$0x1]  }
0x3: {  	s1 =	rddreg [dreg:$0x2];
	s2 =	srdreg.scid  }
0x4: {  	s0 =	rddreg [dreg:$0x3];
	s6 =	sand.u32 $0x1, s2  }
0x5: {  	s3 =	simm.s32 $0x0;
	s2 =	stileid.u32;
	s8 =	smul.u32 $0x27100, s6  }
0x6: {  	s13 =	simm.s32 $0x80;
	s14 =	simm.s32 $0x50;
	s9 =	smul.u32 $0x2710, s2  }
0x7: {  	s15 =	simm.s32 $0x100;
	s16 =	simm.s32 $0x0;
	s28 =	smul.u32 $0x2800, s2  }
0x8: {  	[smem:$0x7FF] =	sst s3;
	s4 =	sadd.s32 $0x16E00, s5;
	s11 =	smul.u32 $0x50000, s2  }
0x9: {  	_ =	strace $0x8000004D;
	s10 =	ssub.s32 $0x2, s6;
	s6 =	smul.u32 $0x28000, s6  }
0xa: {  	s31 =	sshll.u32 s2, $0x6;
	s29 =	sshrl.u32 s10, $0x1;
	s8 =	sadd.s32 s9, s8  }
0xb: {  	s30 =	sshrl.u32 s11, $0x2;
	s9 =	sadd.s32 s28, s6;
	s6 =	sor.u32 $0x1C01, s31  }
0xc: {  	s8 =	sshrl.u32 s8, $0x3;
	s11 =	sadd.s32 s30, s1;
	s7 =	sadd.s32 s7, s9  }
0xd: {  	s12 =	sadd.s32 s8, s5;
	s5 =	sadd.s32 s28, s5;
	s8 =	ssub.s32 s10, s29  }
0xe: {  	s11 =	sshrl.u32 s11, $0x3;
	s5 =	sadd.s32 $0x3E000, s5;
	s8 =	smax.u32 s8, $0x1  }
0xf: {  	s9 =	sadd.s32 $0xD000, s12;
	s10 =	sadd.s32 $0x3200, s12;
	s12 =	simm.s32 $0x1  }
.LBB2_1:
0x10: {  	[spmem:s11], [sflag:s6] =	dma.local [hbm:s5], $0x2800  }
0x11: {  	_ =	swait.ge [sflag:s12], $0x2800  }
0x12: {  	[sflag:s12] =	ssyncset.done $0x0  }
0x13: {  	[sflag:s12] =	ssyncadd.s32 $0xFFFFD800  }
0x14: {  	s17 =	sadd.s32 $0x0, s10;
	[bflag:$0x0] =	sbarrier.arrive $0xFFFF  }
0x15: {  	[tilespmem:s3], [sflag:$0x1] =	stream.linear.gather [hbm4b:s17+s3], $0x50, $0x38;
	[tilespmem:$0x16900] =	vst v63  }
0x16: {  	_ =	swait.ge [sflag:s12], $0x50  }
0x17: {  	[sflag:s12] =	ssyncset.done $0x0  }
0x18: {  	s31 =	sadd.s32 $0x0, s9;
	[sflag:s12] =	ssyncadd.s32 $0xFFFFFFB0  }
0x19: {  	[tilespmem:s13], [sflag:$0x1] =	stream.linear.gather [hbm4b:s31+s3], $0x50, $0x38;
	[tilespmem:$0x16900] =	vst v63  }
0x1a: {  	_ =	swait.ge [sflag:s12], $0x50  }
0x1b: {  	[sflag:s12] =	ssyncset.done $0x0  }
0x1c: {  	[sflag:s12] =	ssyncadd.s32 $0xFFFFFFB0  }
0x1d: {  	[tilespmem:s15], [sflag:$0x1] =	stream.indirect.gather [hbm4b:s4+s14], $0x80, s3, s14, $0xb8;
	[tilespmem:$0x16900] =	vst v63  }
0x1e: {  	_ =	swait.ge [sflag:s12], $0x2800  }
0x1f: {  	[sflag:s12] =	ssyncset.done $0x0  }
0x20: {  	[sflag:s12] =	ssyncadd.s32 $0xFFFFD800  }
0x21: {  	[spmem:s1] =	stream.indirect.scatter.add.f32 [tilespmem:s15], [sflag:$0x1], $0x80, s13, s14, $0xb8;
	[tilespmem:$0x16900] =	vst v63  }
0x22: {  	_ =	swait.ge [sflag:s12], $0x2800  }
0x23: {  	s18 =	simm.s32 $0x14;
	s17 =	simm.s32 $0xA;
	[sflag:s12] =	ssyncset.done $0x0  }
.LBB2_2:
0x24: {  	s19 =	sadd.s32 s17, s10  }
0x25: {  	[sflag:s12] =	ssyncadd.s32 $0xFFFFD800;
	s20 =	smov.u32 s18;
	s21 =	sadd.s32 $0xA, s18  }
0x26: {  	[tilespmem:s3], [sflag:$0x1] =	stream.linear.gather [hbm4b:s19+s3], $0x50, $0x38;
	[tilespmem:$0x16900] =	vst v63  }
0x27: {  	p0 =	sne.s32 s18, $0x4D8;
	_ =	swait.ge [sflag:s12], $0x50  }
0x28: {  	[sflag:s12] =	ssyncset.done $0x0  }
0x29: {  	s18 =	sadd.s32 s17, s9;
	s17 =	smov.u32 s20;
	[sflag:s12] =	ssyncadd.s32 $0xFFFFFFB0  }
0x2a: {  	[tilespmem:s13], [sflag:$0x1] =	stream.linear.gather [hbm4b:s18+s3], $0x50, $0x38;
	[tilespmem:$0x16900] =	vst v63  }
0x2b: {  	_ =	swait.ge [sflag:s12], $0x50  }
0x2c: {  	[sflag:s12] =	ssyncset.done $0x0  }
0x2d: {  	[sflag:s12] =	ssyncadd.s32 $0xFFFFFFB0  }
0x2e: {  	[tilespmem:s15], [sflag:$0x1] =	stream.indirect.gather [hbm4b:s4+s14], $0x80, s3, s14, $0xb8;
	[tilespmem:$0x16900] =	vst v63  }
0x2f: {  	_ =	swait.ge [sflag:s12], $0x2800  }
.Ltmp0:
0x30: {  	[sflag:s12] =	ssyncset.done $0x0;
	(pc) =	sbr.rel @p0 .LBB2_2-.Ltmp0, $4  }
0x31: {  	[sflag:s12] =	ssyncadd.s32 $0xFFFFD800  }
0x32: {  	[spmem:s1] =	stream.indirect.scatter.add.f32 [tilespmem:s15], [sflag:$0x1], $0x80, s13, s14, $0xb8;
	[tilespmem:$0x16900] =	vst v63  }
0x33: {  	_ =	swait.ge [sflag:s12], $0x2800  }
0x34: {  	s18 =	smov.u32 s21;
	[sflag:s12] =	ssyncset.done $0x0  }
0x35: {  	s18 =	sadd.s32 s17, s10;
	[sflag:s12] =	ssyncadd.s32 $0xFFFFD800  }
0x36: {  	[tilespmem:s3], [sflag:$0x1] =	stream.linear.gather [hbm4b:s18+s3], $0x50, $0x38;
	[tilespmem:$0x16900] =	vst v63  }
0x37: {  	_ =	swait.ge [sflag:s12], $0x50  }
0x38: {  	[sflag:s12] =	ssyncset.done $0x0  }
0x39: {  	s31 =	sadd.s32 s17, s9;
	[sflag:s12] =	ssyncadd.s32 $0xFFFFFFB0  }
0x3a: {  	[tilespmem:s13], [sflag:$0x1] =	stream.linear.gather [hbm4b:s31+s3], $0x50, $0x38;
	[tilespmem:$0x16900] =	vst v63  }
0x3b: {  	_ =	swait.ge [sflag:s12], $0x50  }
0x3c: {  	[sflag:s12] =	ssyncset.done $0x0  }
0x3d: {  	[sflag:s12] =	ssyncadd.s32 $0xFFFFFFB0  }
0x3e: {  	[tilespmem:s15], [sflag:$0x1] =	stream.indirect.gather [hbm4b:s4+s14], $0x80, s3, s14, $0xb8;
	[tilespmem:$0x16900] =	vst v63  }
0x3f: {  	_ =	swait.ge [sflag:s12], $0x2800  }
0x40: {  	[sflag:s12] =	ssyncset.done $0x0  }
0x41: {  	[sflag:s12] =	ssyncadd.s32 $0xFFFFD800  }
0x42: {  	[spmem:s1] =	stream.indirect.scatter.add.f32 [tilespmem:s15], [sflag:$0x1], $0x80, s13, s14, $0xb8;
	[tilespmem:$0x16900] =	vst v63  }
0x43: {  	_ =	swait.ge [sflag:s12], $0x2800  }
0x44: {  	s16 =	sadd.s32 $0x1, s16;
	[sflag:s12] =	ssyncset.done $0x0  }
0x45: {  	p0 =	sne.s32 s16, s8;
	[sflag:s12] =	ssyncadd.s32 $0xFFFFD800  }
.Ltmp1:
0x46: {  	[bflag:$0x0] =	sbarrier.arrive $0xFFFF;
	(pc) =	sbr.rel @p0 .LBB2_1-.Ltmp1, $4  }
0x47: {  	[hbm:s7], [sflag:s6] =	dma.local [spmem:s11], $0x2800  }
0x48: {  	_ =	swait.ge [sflag:s12], $0x2800  }
0x49: {  	[sflag:s12] =	ssyncset.done $0x0  }
0x4a: {  	[sflag:s12] =	ssyncadd.s32 $0xFFFFD800  }
0x4b: {  	_ =	sfence.sel $0x180000  }
0x4c: {  	[bflag:$0x0] =	sbarrier.arrive $0xFFFF  }
0x4d: {  	p0 =	sne.s32 s2, $0x0;
	_ =	strace $0x9000004D  }
0x4e: {  	s0 =	sadd.s32 @!p0 $0x100000, s0;
	[bflag:$0x2] =	sbarrier.arrive $0xFFFF  }
0x4f: {  	[sflag:s0] =	ssyncadd.tile.s32 @!p0 $0x1;
	_ =	shalt  }
.Lfunc_end2:
_tile_overlayer_lowered:
.L_overlay_start_2:
0x50: {  	(tag) =	ssettag $0x2  }
0x51: {  	s0 =	rddreg [dreg:$0x0];
	s2 =	stileid.u32  }
0x52: {  	s1 =	rddreg [dreg:$0x1];
	p0 =	sne.s32 s2, $0x0  }
0x53: {  	s3 =	rddreg [dreg:$0x2];
	[bflag:$0x3] =	sbarrier.arrive $0xFFFF;
	s2 =	simm.s32 @!p0 $0x1C01  }
0x54: {  	[timem:s3], [sflag:s2] =	dma.local @!p0 [hbm:s0], s1  }
0x55: {  	s0 =	simm.s32 @!p0 $0x1  }
0x56: {  	_ =	swait.ge @!p0 [sflag:s0], s1  }
0x57: {  	s1 =	ssub.s32 @!p0 $0x0, s1;
	[sflag:s0] =	ssyncset.done @!p0 $0x0  }
0x58: {  	[sflag:s0] =	ssyncadd.s32 @!p0 s1  }
0x59: {  	[bflag:$0x3] =	sbarrier.arrive $0xFFFF  }
0x5a: {  	_ =	shalt  }

// kernel: kernel.19.cloned.1.call-start
scs
__scs_entry_jumppad:
0x0: {  	(pc) =	sbr.rel $0x88, $3  }
0x1: {  	(tag) =	ssettag $0x0;
	lr =	simm.s32 $0x1  }
0x2: {  	[smem:$0x3F98] =	sst lr;
	_ =	strace $0xD0000000  }
0x3: {  	_ = 	snop  }
0x4: {  	_ = 	snop  }
0x5: {  	_ = 	snop  }
0x6: {  	_ = 	snop  }
0x7: {  	_ = 	snop  }
__scs_overlays_trampoline_lowered:
0x8: {  	[smem:$0x3FA7] =	sst s0  }
0x9: {  	[smem:$0x3FA8] =	sst s1  }
0xa: {  	[smem:$0x3FA9] =	sst s2  }
0xb: {  	[smem:$0x3FAA] =	sst s3  }
0xc: {  	[smem:$0x3FAB] =	sst s4  }
0xd: {  	[smem:$0x3FAC] =	sst s5  }
0xe: {  	[smem:$0x3FAD] =	sst s6  }
0xf: {  	[smem:$0x3FAE] =	sst s7  }
0x10: {  	[smem:$0x3FAF] =	sst s8  }
0x11: {  	[smem:$0x3FB0] =	sst s9;
	s0 =	simm.s32 @!p0 $0x0  }
0x12: {  	s1 =	sld [smem:$0x3F96];
	s0 =	simm.s32 @p0 $0x1  }
0x13: {  	[smem:$0x3FB1] =	sst s0;
	s0 =	simm.s32 @!p1 $0x0  }
0x14: {  	s2 =	sld [smem:$0x3F95];
	s0 =	simm.s32 @p1 $0x1  }
0x15: {  	[smem:$0x3FB2] =	sst s0;
	s0 =	simm.s32 @!p2 $0x0  }
0x16: {  	s3 =	sld [smem:$0x3FDB];
	s0 =	simm.s32 @p2 $0x1  }
0x17: {  	s4 =	simm.s32 $0x1BF5;
	[smem:$0x3FB4] =	sst s0  }
0x18: {  	s0 =	sld [smem:$0x3F97];
	_ =	swait.ge [sflag:s4], $0x0  }
0x19: {  	s7 =	sld [smem:$0x3F98]  }
0x1a: {  	s8 =	sadd.s32 $0xFFFFE003, lr  }
0x1b: {  	s9 =	sadd.s32 $0xFFFFFEF7, lr;
	s5 =	simm.s32 $0xFFFFFFFF;
	p2 =	slt.u32 s8, $0xFFFFF086  }
0x1c: {  	p1 =	slt.u32 s9, $0xF7A;
	s5 =	simm.s32 @!p2 $0x0  }
0x1d: {  	s5 =	simm.s32 @p1 $0x1;
	p0 =	seq.s32 s7, s2  }
0x1e: {  	s7 =	smul.u32 @!p0 $0xF7A, s2;
	p2 =	seq.s32 @!p0 s5, $0x0  }
0x1f: {  	s9 =	smul.u32 $0xF7A, s1;
	s8 =	simm.s32 @!p0 $0x1BF5;
	p2 =	por !p2, p0  }
0x20: {  	[sflag:s8] =	ssyncset.s32 @!p0 $0xFFFFF086;
	s6 =	sadd.s32 @!p0 s3, s7;
	s7 =	simm.s32 @!p0 $0x108  }
0x21: {  	s3 =	sadd.s32 s3, s9;
	s6 =	sadd.s32 @!p0 $0x88, s6;
	s7 =	simm.s32 @p2 $0x1082  }
0x22: {  	[simem:s7], [sflag:s8] =	dma.local @!p0 [hbm:s6], $0xF7A  }
0x23: {  	s9 =	sor.u32 $0xD0000000, s2;
	s6 =	simm.s32 $0x108;
	_ =	swait.ge @!p0 [sflag:s8], $0x0  }
0x24: {  	s3 =	sadd.s32 $0x88, s3;
	s6 =	simm.s32 @!p1 $0x1082;
	[sflag:s4] =	ssyncset.s32 $0xFFFFF086  }
0x25: {  	[simem:s6], [sflag:s4] =	dma.local [hbm:s3], $0xF7A  }
0x26: {  	[smem:$0x3F98] =	sst s1;
	(tag) =	ssettag s2;
	_ =	strace s9  }
0x27: {  	s1 =	sld [smem:$0x3FA8]  }
0x28: {  	s2 =	sld [smem:$0x3FA9]  }
0x29: {  	s4 =	sld [smem:$0x3FAB]  }
0x2a: {  	p0 =	seq.s32 s5, $0x0;
	s5 =	sld [smem:$0x3FAC]  }
0x2b: {  	s6 =	sld [smem:$0x3FAD]  }
0x2c: {  	s7 =	sld [smem:$0x3FAE]  }
0x2d: {  	s3 =	simm.s32 $0x108;
	s8 =	sld [smem:$0x3FAF]  }
0x2e: {  	s3 =	simm.s32 @!p0 $0x1082;
	s9 =	sld [smem:$0x3FB0]  }
0x2f: {  	lr =	sadd.s32 s0, s3;
	s0 =	sld [smem:$0x3FA7]  }
0x30: {  	s3 =	sld [smem:$0x3FAA]  }
0x31: {  	[smem:$0x3FB3] =	sst s10  }
0x32: {  	s10 =	sld [smem:$0x3FB1];
	_ =	sdelay $0x3  }
0x33: {  	p0 =	seq.s32 s10, $0x1;
	s10 =	sld [smem:$0x3FB3];
	_ =	sdelay $0x3  }
0x34: {  	[smem:$0x3FB3] =	sst s10  }
0x35: {  	s10 =	sld [smem:$0x3FB2];
	_ =	sdelay $0x3  }
0x36: {  	p1 =	seq.s32 s10, $0x1;
	s10 =	sld [smem:$0x3FB3];
	_ =	sdelay $0x3  }
0x37: {  	[smem:$0x3FB3] =	sst s10  }
0x38: {  	s10 =	sld [smem:$0x3FB4]  }
0x39: {  	_ = 	snop;
	(pc) =	sbr.ind lr, $3  }
0x3a: {  	_ = 	snop  }
0x3b: {  	_ = 	snop  }
0x3c: {  	p2 =	seq.s32 s10, $0x1;
	s10 =	sld [smem:$0x3FB3]  }
0x3d: {  	_ =	shalt  }
0x3e: {  	_ =	shalt  }
0x3f: {  	_ =	shalt  }
0x40: {  	_ =	shalt  }
0x41: {  	_ =	shalt  }
0x42: {  	_ =	shalt  }
0x43: {  	_ =	shalt  }
0x44: {  	_ =	shalt  }
0x45: {  	_ =	shalt  }
0x46: {  	_ =	shalt  }
0x47: {  	_ =	shalt  }
0x48: {  	_ =	shalt  }
0x49: {  	_ =	shalt  }
0x4a: {  	_ =	shalt  }
0x4b: {  	_ =	shalt  }
0x4c: {  	_ =	shalt  }
0x4d: {  	_ =	shalt  }
0x4e: {  	_ =	shalt  }
0x4f: {  	_ =	shalt  }
0x50: {  	_ =	shalt  }
0x51: {  	_ =	shalt  }
0x52: {  	_ =	shalt  }
0x53: {  	_ =	shalt  }
0x54: {  	_ =	shalt  }
0x55: {  	_ =	shalt  }
0x56: {  	_ =	shalt  }
0x57: {  	_ =	shalt  }
0x58: {  	_ =	shalt  }
0x59: {  	_ =	shalt  }
0x5a: {  	_ =	shalt  }
0x5b: {  	_ =	shalt  }
0x5c: {  	_ =	shalt  }
0x5d: {  	_ =	shalt  }
0x5e: {  	_ =	shalt  }
0x5f: {  	_ =	shalt  }
0x60: {  	_ =	shalt  }
0x61: {  	_ =	shalt  }
0x62: {  	_ =	shalt  }
0x63: {  	_ =	shalt  }
0x64: {  	_ =	shalt  }
0x65: {  	_ =	shalt  }
0x66: {  	_ =	shalt  }
0x67: {  	_ =	shalt  }
0x68: {  	_ =	shalt  }
0x69: {  	_ =	shalt  }
0x6a: {  	_ =	shalt  }
0x6b: {  	_ =	shalt  }
0x6c: {  	_ =	shalt  }
0x6d: {  	_ =	shalt  }
0x6e: {  	_ =	shalt  }
0x6f: {  	_ =	shalt  }
0x70: {  	_ =	shalt  }
0x71: {  	_ =	shalt  }
0x72: {  	_ =	shalt  }
0x73: {  	_ =	shalt  }
0x74: {  	_ =	shalt  }
0x75: {  	_ =	shalt  }
0x76: {  	_ =	shalt  }
0x77: {  	_ =	shalt  }
0x78: {  	_ =	shalt  }
0x79: {  	_ =	shalt  }
0x7a: {  	_ =	shalt  }
0x7b: {  	_ =	shalt  }
0x7c: {  	_ =	shalt  }
0x7d: {  	_ =	shalt  }
0x7e: {  	_ =	shalt  }
0x7f: {  	_ =	shalt  }
0x80: {  	_ =	shalt  }
0x81: {  	_ =	shalt  }
0x82: {  	_ =	shalt  }
0x83: {  	_ =	shalt  }
0x84: {  	_ =	shalt  }
0x85: {  	_ =	shalt  }
0x86: {  	_ =	shalt  }
0x87: {  	_ =	shalt  }
.Lfunc_end0:
.L_simem_size_0:
called_computation.3_lowered:
.L_overlay_start_0:
0x88: {  	s2 =	sld [smem:$0x3FD9]  }
0x89: {  	s3 =	sld [smem:$0x3FFE];
	_ =	sdelay $0x1  }
0x8a: {  	s1 =	srdreg.scid  }
0x8b: {  	s0 =	sand.u32 $0x1, s1  }
0x8c: {  	s17 =	sshll.u32 s0, $0xA;
	s2 =	sadd.s32 s3, s2  }
0x8d: {  	s2 =	sadd.s32 s2, s17  }
0x8e: {  	[smem:$0x3FBF] =	sst s2  }
0x8f: {  	_ = 	snop  }
0x90: {  	s2 =	sld [smem:$0x3FD0];
	(tm) =	ssettm $0x1  }
0x91: {  	s18 =	sld [smem:$0x3FFB];
	_ =	sdelay $0x3  }
0x92: {  	_ =	strace s18  }
0x93: {  	s3 =	sld [smem:$0x3FFC];
	_ =	sdelay $0x3  }
0x94: {  	_ =	strace s3  }
0x95: {  	s3 =	sld [smem:$0x3FFD];
	_ =	sdelay $0x3  }
0x96: {  	_ =	strace s3  }
0x97: {  	_ =	strace $0x8FFFFFFF  }
0x98: {  	s19 =	sld [smem:$0x3FDB];
	_ =	sdelay $0x1  }
0x99: {  	s4 =	simm.s32 $_scs_section_size  }
0x9a: {  	s5 =	simm.s32 $_size__tile_overlayer_lowered;
	s6 =	simm.s32 $_tile_overlayer_lowered  }
0x9b: {  	s22 =	simm.s32 $0x1BFF;
	s21 =	sshll.u32 s6, $0x1;
	s3 =	sadd.s32 s4, s19  }
0x9c: {  	s7 =	simm.s32 $0x0;
	s20 =	sshll.u32 s5, $0x1;
	s5 =	sadd.s32 s21, s3  }
0x9d: {  	[timem:s7], [sflag:s22] =	dma.local [hbm:s5], s20  }
0x9e: {  	_ =	swait.ge [sflag:s22], s20  }
0x9f: {  	s4 =	ssub.s32 $0x0, s20;
	[sflag:s22] =	ssyncset.done $0x0  }
0xa0: {  	[sflag:s22] =	ssyncadd.s32 s4;
	_ =	sdelay $0x1  }
0xa1: {  	s23 =	simm.s32 $0x1B8B  }
0xa2: {  	_ =	swait.ge [sflag:s23], $0x1  }
0xa3: {  	[sflag:s23] =	ssyncset.done $0x0  }
0xa4: {  	s25 =	simm.s32 $0x1B8E;
	s24 =	sld [smem:$0x3FFE];
	[sflag:s23] =	ssyncadd.s32 $0xFFFFFFFF  }
0xa5: {  	s26 =	simm.s32 $execute0_lowered;
	[smem:$0x3FD2] =	sst s25  }
0xa6: {  	s5 =	sshll.u32 s26, $0x1;
	_ =	strace $0x8000004F;
	[dreg:$0x1] =	wrdreg $0xFFFFFFFF  }
0xa7: {  	s28 =	simm.s32 $_size_execute0_lowered;
	s3 =	sadd.s32 s3, s5;
	[dreg:$0x0] =	wrdreg $0x0  }
0xa8: {  	s5 =	sshll.u32 s28, $0x1;
	[dreg:$0x2] =	wrdreg s3  }
0xa9: {  	[dreg:$0x3] =	wrdreg s5  }
0xaa: {  	[dreg:$0x4] =	wrdreg $0xC0  }
0xab: {  	_ =	task [dreg:s7], $0x5FFFF  }
0xac: {  	[dreg:$0x1] =	wrdreg $0xFFFFFFFF  }
0xad: {  	[dreg:$0x0] =	wrdreg $0x60  }
0xae: {  	[dreg:$0x2] =	wrdreg s2  }
0xaf: {  	[dreg:$0x3] =	wrdreg s24  }
0xb0: {  	[dreg:$0x4] =	wrdreg $0x51800  }
0xb1: {  	[dreg:$0x5] =	wrdreg $0x9  }
0xb2: {  	_ =	task.clear_ibuf [dreg:s7], $0x6FFFF;
	_ =	strace $0x9000004F  }
0xb3: {  	s29 =	simm.s32 $0x9;
	_ =	strace $0x80000051  }
0xb4: {  	_ =	swait.ge [sflag:s29], $0x1  }
0xb5: {  	[sflag:s29] =	ssyncadd.s32 $0xFFFFFFFF  }
0xb6: {  	_ =	strace $0x90000051  }
0xb7: {  	_ =	sfence  }
0xb8: {  	s30 =	sld [smem:$0x0];
	_ =	sdelay $0x2  }
0xb9: {  	s31 =	sshll.u32 s1, $0xD;
	s1 =	sshrl.u32 s1, $0x2  }
0xba: {  	s3 =	sand.u32 $0x4000, s31;
	s1 =	sadd.s32 s1, s30  }
0xbb: {  	s0 =	sor.u32 s3, s0;
	s1 =	sshll.u32 s1, $0x11  }
0xbc: {  	s0 =	sor.u32 s1, s0  }
0xbd: {  	s0 =	sadd.s32 $0x8F2B, s0  }
0xbe: {  	[sflag:s0] =	ssyncadd.remote.s32 $0x1  }
0xbf: {  	_ =	sfence.sel $0xFFFF  }
0xc0: {  	[dreg:$0x0] =	wrdreg $0xFFFFFFFF;
	(pc) =	sbr.abs _section_cstart, $3  }
0xc1: {  	[dreg:$0x1] =	wrdreg $0xFFFFFFFF  }
0xc2: {  	_ =	task.clear_ibuf [dreg:s7], $0x2FFFF;
	_ =	strace $0x9FFFFFFF  }
0xc3: {  	(tm) =	ssettm $0x7FFFFFFF  }
tec
execute0_lowered:
.L_overlay_start_1:
0x0: {  	(tag) =	ssettag $0x1  }
0x1: {  	s1 =	rddreg [dreg:$0x0]  }
0x2: {  	s6 =	rddreg [dreg:$0x1];
	s3 =	srdreg.scid  }
0x3: {  	s2 =	rddreg [dreg:$0x2];
	s7 =	sand.u32 $0x1, s3  }
0x4: {  	s3 =	stileid.u32;
	s8 =	smul.u32 $0x27100, s7  }
0x5: {  	s0 =	rddreg [dreg:$0x3];
	s9 =	smul.u32 $0x2710, s3  }
0x6: {  	s4 =	simm.s32 $0x0;
	s12 =	simm.s32 $0x80;
	s28 =	smul.u32 $0x271000, s7  }
0x7: {  	s13 =	simm.s32 $0x50;
	s14 =	simm.s32 $0x180;
	s15 =	smul.u32 $0x50, s3  }
0x8: {  	[smem:$0x7FF] =	sst s4;
	s5 =	sadd.s32 $0x16E00, s6;
	s11 =	smul.u32 $0xA000, s3  }
0x9: {  	_ =	strace $0x80000050;
	s7 =	ssub.s32 $0x2, s7;
	s30 =	smul.u32 $0x27100, s3  }
0xa: {  	s20 =	sshll.u32 s3, $0x6;
	s29 =	sshrl.u32 s7, $0x1;
	s8 =	sadd.s32 s9, s8  }
0xb: {  	s7 =	ssub.s32 s7, s29;
	s16 =	sadd.s32 $0x10, s15;
	s17 =	sadd.s32 $0x20, s15  }
0xc: {  	v4 =	vlaneseq.u32;
	s18 =	sadd.s32 $0x30, s15;
	s19 =	sadd.s32 $0x40, s15;
	s31 =	sshrl.u32 s11, $0x2  }
0xd: {  	s11 =	simm.s32 $0x1;
	v0 =	vor.u32 s15, v4;
	s15 =	simm.s32 $0x2980;
	s8 =	sshrl.u32 s8, $0x3  }
0xe: {  	s7 =	smax.u32 s7, $0x1;
	v1 =	vor.u32 s16, v4;
	s16 =	simm.s32 $0x100;
	v2 =	vor.u32 s17, v4;
	s17 =	sor.u32 $0x1C01, s20  }
0xf: {  	v3 =	vor.u32 s18, v4;
	v4 =	vor.u32 s19, v4;
	s19 =	simm.s32 $0x0;
	s10 =	sadd.s32 s8, s6;
	s6 =	sadd.s32 s28, s6  }
0x10: {  	s8 =	sadd.s32 s30, s6;
	s6 =	sadd.s32 s31, s2;
	s9 =	sadd.s32 $0xD000, s10  }
0x11: {  	s10 =	sadd.s32 $0x3200, s10;
	s8 =	sadd.s32 $0x3E000, s8;
	s18 =	sshrl.u32 s6, $0x3  }
.LBB2_1:
0x12: {  	[tilespmem:$0x100] =	vst v0  }
0x13: {  	[tilespmem:$0x110] =	vst v1  }
0x14: {  	[tilespmem:$0x120] =	vst v2  }
0x15: {  	[tilespmem:$0x130] =	vst v3  }
0x16: {  	[tilespmem:$0x140] =	vst v4;
	s20 =	sadd.s32 $0x0, s10  }
0x17: {  	[tilespmem:s4], [sflag:$0x1] =	stream.linear.gather [hbm4b:s20+s4], $0x50, $0x38;
	[tilespmem:$0x7980] =	vst v63  }
0x18: {  	_ =	swait.ge [sflag:s11], $0x50  }
0x19: {  	[sflag:s11] =	ssyncset.done $0x0  }
0x1a: {  	s31 =	sadd.s32 $0x0, s9;
	[sflag:s11] =	ssyncadd.s32 $0xFFFFFFB0  }
0x1b: {  	[tilespmem:s12], [sflag:$0x1] =	stream.linear.gather [hbm4b:s31+s4], $0x50, $0x38;
	[tilespmem:$0x7980] =	vst v63  }
0x1c: {  	_ =	swait.ge [sflag:s11], $0x50  }
0x1d: {  	[sflag:s11] =	ssyncset.done $0x0  }
0x1e: {  	[sflag:s11] =	ssyncadd.s32 $0xFFFFFFB0  }
0x1f: {  	[tilespmem:s14], [sflag:$0x1] =	stream.indirect.gather [hbm4b:s1+s13], $0x80, s4, s13, $0xb8;
	[tilespmem:$0x7980] =	vst v63  }
0x20: {  	_ =	swait.ge [sflag:s11], $0x2800  }
0x21: {  	[sflag:s11] =	ssyncset.done $0x0  }
0x22: {  	[sflag:s11] =	ssyncadd.s32 $0xFFFFD800  }
0x23: {  	[tilespmem:s15], [sflag:$0x1] =	stream.indirect.gather [hbm4b:s5+s13], $0x80, s12, s13, $0xb8;
	[tilespmem:$0x7980] =	vst v63  }
0x24: {  	_ =	swait.ge [sflag:s11], $0x2800  }
0x25: {  	[sflag:s11] =	ssyncset.done $0x0  }
0x26: {  	[sflag:s11] =	ssyncadd.s32 $0xFFFFD800  }
0x27: {  	[spmem:s6] =	stream.linear.scatter [tilespmem:s14], [sflag:$0x1], $0x2800, $0x38;
	[tilespmem:$0x7980] =	vst v63  }
0x28: {  	_ =	swait.ge [sflag:s11], $0x2800  }
0x29: {  	[sflag:s11] =	ssyncset.done $0x0  }
0x2a: {  	[sflag:s11] =	ssyncadd.s32 $0xFFFFD800  }
0x2b: {  	[spmem:s2] =	stream.indirect.scatter.add.f32 [tilespmem:s15], [sflag:$0x1], $0x80, s16, s13, $0xb8;
	[tilespmem:$0x7980] =	vst v63  }
0x2c: {  	_ =	swait.ge [sflag:s11], $0x2800  }
0x2d: {  	[sflag:s11] =	ssyncset.done $0x0  }
0x2e: {  	[sflag:s11] =	ssyncadd.s32 $0xFFFFD800  }
0x2f: {  	[hbm:s8], [sflag:s17] =	dma.local [spmem:s18], $0x500  }
0x30: {  	s21 =	simm.s32 $0xA;
	_ =	swait.ge [sflag:s11], $0x500  }
0x31: {  	s22 =	simm.s32 $0x14;
	s20 =	sadd.s32 $0x500, s8;
	[sflag:s11] =	ssyncset.done $0x0  }
.LBB2_2:
0x32: {  	s23 =	sadd.s32 s21, s10  }
0x33: {  	[sflag:s11] =	ssyncadd.s32 $0xFFFFFB00;
	s24 =	smov.u32 s22;
	s25 =	sadd.s32 $0xA, s22  }
0x34: {  	[tilespmem:s4], [sflag:$0x1] =	stream.linear.gather [hbm4b:s23+s4], $0x50, $0x38;
	[tilespmem:$0x7980] =	vst v63  }
0x35: {  	p0 =	sne.s32 s22, $0x4D8;
	_ =	swait.ge [sflag:s11], $0x50  }
0x36: {  	[sflag:s11] =	ssyncset.done $0x0  }
0x37: {  	s22 =	sadd.s32 s21, s9;
	s21 =	smov.u32 s24;
	[sflag:s11] =	ssyncadd.s32 $0xFFFFFFB0  }
0x38: {  	[tilespmem:s12], [sflag:$0x1] =	stream.linear.gather [hbm4b:s22+s4], $0x50, $0x38;
	[tilespmem:$0x7980] =	vst v63  }
0x39: {  	_ =	swait.ge [sflag:s11], $0x50  }
0x3a: {  	[sflag:s11] =	ssyncset.done $0x0  }
0x3b: {  	[sflag:s11] =	ssyncadd.s32 $0xFFFFFFB0  }
0x3c: {  	[tilespmem:s14], [sflag:$0x1] =	stream.indirect.gather [hbm4b:s1+s13], $0x80, s4, s13, $0xb8;
	[tilespmem:$0x7980] =	vst v63  }
0x3d: {  	_ =	swait.ge [sflag:s11], $0x2800  }
0x3e: {  	[sflag:s11] =	ssyncset.done $0x0  }
0x3f: {  	[sflag:s11] =	ssyncadd.s32 $0xFFFFD800  }
0x40: {  	[tilespmem:s15], [sflag:$0x1] =	stream.indirect.gather [hbm4b:s5+s13], $0x80, s12, s13, $0xb8;
	[tilespmem:$0x7980] =	vst v63  }
0x41: {  	_ =	swait.ge [sflag:s11], $0x2800  }
0x42: {  	[sflag:s11] =	ssyncset.done $0x0  }
0x43: {  	[sflag:s11] =	ssyncadd.s32 $0xFFFFD800  }
0x44: {  	[spmem:s6] =	stream.linear.scatter [tilespmem:s14], [sflag:$0x1], $0x2800, $0x38;
	[tilespmem:$0x7980] =	vst v63  }
0x45: {  	_ =	swait.ge [sflag:s11], $0x2800  }
0x46: {  	[sflag:s11] =	ssyncset.done $0x0  }
0x47: {  	[sflag:s11] =	ssyncadd.s32 $0xFFFFD800  }
0x48: {  	[spmem:s2] =	stream.indirect.scatter.add.f32 [tilespmem:s15], [sflag:$0x1], $0x80, s16, s13, $0xb8;
	[tilespmem:$0x7980] =	vst v63  }
0x49: {  	_ =	swait.ge [sflag:s11], $0x2800  }
.Ltmp0:
0x4a: {  	[sflag:s11] =	ssyncset.done $0x0;
	(pc) =	sbr.rel @p0 .LBB2_2-.Ltmp0, $4  }
0x4b: {  	[sflag:s11] =	ssyncadd.s32 $0xFFFFD800  }
0x4c: {  	[hbm:s20], [sflag:s17] =	dma.local [spmem:s18], $0x500  }
0x4d: {  	_ =	swait.ge [sflag:s11], $0x500  }
0x4e: {  	s22 =	smov.u32 s25;
	s20 =	sadd.s32 $0x500, s20;
	[sflag:s11] =	ssyncset.done $0x0  }
0x4f: {  	s22 =	sadd.s32 s21, s10;
	[sflag:s11] =	ssyncadd.s32 $0xFFFFFB00  }
0x50: {  	[tilespmem:s4], [sflag:$0x1] =	stream.linear.gather [hbm4b:s22+s4], $0x50, $0x38;
	[tilespmem:$0x7980] =	vst v63  }
0x51: {  	_ =	swait.ge [sflag:s11], $0x50  }
0x52: {  	[sflag:s11] =	ssyncset.done $0x0  }
0x53: {  	s31 =	sadd.s32 s21, s9;
	[sflag:s11] =	ssyncadd.s32 $0xFFFFFFB0  }
0x54: {  	[tilespmem:s12], [sflag:$0x1] =	stream.linear.gather [hbm4b:s31+s4], $0x50, $0x38;
	[tilespmem:$0x7980] =	vst v63  }
0x55: {  	_ =	swait.ge [sflag:s11], $0x50  }
0x56: {  	[sflag:s11] =	ssyncset.done $0x0  }
0x57: {  	[sflag:s11] =	ssyncadd.s32 $0xFFFFFFB0  }
0x58: {  	[tilespmem:s14], [sflag:$0x1] =	stream.indirect.gather [hbm4b:s1+s13], $0x80, s4, s13, $0xb8;
	[tilespmem:$0x7980] =	vst v63  }
0x59: {  	_ =	swait.ge [sflag:s11], $0x2800  }
0x5a: {  	[sflag:s11] =	ssyncset.done $0x0  }
0x5b: {  	[sflag:s11] =	ssyncadd.s32 $0xFFFFD800  }
0x5c: {  	[tilespmem:s15], [sflag:$0x1] =	stream.indirect.gather [hbm4b:s5+s13], $0x80, s12, s13, $0xb8;
	[tilespmem:$0x7980] =	vst v63  }
0x5d: {  	_ =	swait.ge [sflag:s11], $0x2800  }
0x5e: {  	[sflag:s11] =	ssyncset.done $0x0  }
0x5f: {  	[sflag:s11] =	ssyncadd.s32 $0xFFFFD800  }
0x60: {  	[spmem:s6] =	stream.linear.scatter [tilespmem:s14], [sflag:$0x1], $0x2800, $0x38;
	[tilespmem:$0x7980] =	vst v63  }
0x61: {  	_ =	swait.ge [sflag:s11], $0x2800  }
0x62: {  	[sflag:s11] =	ssyncset.done $0x0  }
0x63: {  	[sflag:s11] =	ssyncadd.s32 $0xFFFFD800  }
0x64: {  	[spmem:s2] =	stream.indirect.scatter.add.f32 [tilespmem:s15], [sflag:$0x1], $0x80, s16, s13, $0xb8;
	[tilespmem:$0x7980] =	vst v63  }
0x65: {  	s19 =	sadd.s32 $0x1, s19;
	_ =	swait.ge [sflag:s11], $0x2800  }
0x66: {  	p0 =	sne.s32 s19, s7;
	[sflag:s11] =	ssyncset.done $0x0  }
.Ltmp1:
0x67: {  	[sflag:s11] =	ssyncadd.s32 $0xFFFFD800;
	(pc) =	sbr.rel @p0 .LBB2_1-.Ltmp1, $4  }
0x68: {  	[hbm:s20], [sflag:s17] =	dma.local [spmem:s18], $0x500  }
0x69: {  	_ =	swait.ge [sflag:s11], $0x500  }
0x6a: {  	[sflag:s11] =	ssyncset.done $0x0  }
0x6b: {  	[sflag:s11] =	ssyncadd.s32 $0xFFFFFB00  }
0x6c: {  	_ =	sfence.sel $0x180000  }
0x6d: {  	[bflag:$0x0] =	sbarrier.arrive $0xFFFF  }
0x6e: {  	p0 =	sne.s32 s3, $0x0;
	_ =	strace $0x90000050  }
0x6f: {  	s0 =	sadd.s32 @!p0 $0x100000, s0;
	[bflag:$0x2] =	sbarrier.arrive $0xFFFF  }
0x70: {  	[sflag:s0] =	ssyncadd.tile.s32 @!p0 $0x1;
	_ =	shalt  }
.Lfunc_end2:
_tile_overlayer_lowered:
.L_overlay_start_2:
0x71: {  	(tag) =	ssettag $0x2  }
0x72: {  	s0 =	rddreg [dreg:$0x0];
	s2 =	stileid.u32  }
0x73: {  	s1 =	rddreg [dreg:$0x1];
	p0 =	sne.s32 s2, $0x0  }
0x74: {  	s3 =	rddreg [dreg:$0x2];
	[bflag:$0x3] =	sbarrier.arrive $0xFFFF;
	s2 =	simm.s32 @!p0 $0x1C01  }
0x75: {  	[timem:s3], [sflag:s2] =	dma.local @!p0 [hbm:s0], s1  }
0x76: {  	s0 =	simm.s32 @!p0 $0x1  }
0x77: {  	_ =	swait.ge @!p0 [sflag:s0], s1  }
0x78: {  	s1 =	ssub.s32 @!p0 $0x0, s1;
	[sflag:s0] =	ssyncset.done @!p0 $0x0  }
0x79: {  	[sflag:s0] =	ssyncadd.s32 @!p0 s1  }
0x7a: {  	[bflag:$0x3] =	sbarrier.arrive $0xFFFF  }
0x7b: {  	_ =	shalt  }

</sc_bundles>
